<compile_context>
chip_gen: v7x
topology: tpu7x:2x2x1
jax: 0.10.2.dev20260603
libtpu: 0.0.44.dev20260713+nightly
codegen_flags: <defaults>
</compile_context>

<pallas_src>
import functools

import jax
import jax.numpy as jnp
from jax import lax
from jax.experimental import pallas as pl
from jax.experimental.pallas import tpu as pltpu
from jax.experimental.pallas import tpu_sc as plsc

NC = 2
NS = 16
LANES = 16
CH = 40


def _pack_halves(x):
    half = x.shape[1] // 2
    lo = lax.bitcast_convert_type(
        x[:, :half].astype(jnp.bfloat16), jnp.uint16).astype(jnp.uint32)
    hi = lax.bitcast_convert_type(
        x[:, half:].astype(jnp.bfloat16), jnp.uint16).astype(jnp.uint32)
    return lax.bitcast_convert_type(lo | (hi << 16), jnp.float32)


def _mm_ab_body(h_ref, wa_ref, wb_ref, a_ref, b_ref):
    h = h_ref[...]
    a_ref[...] = _pack_halves(
        jnp.dot(h, wa_ref[...], preferred_element_type=jnp.float32))
    b_ref[...] = _pack_halves(
        jnp.dot(h, wb_ref[...], preferred_element_type=jnp.float32))


def _mm_c_body(et_ref, wc_ref, b1_ref, c_ref):
    be = et_ref.shape[1]
    m = lax.dot_general(
        et_ref[...], wc_ref[...], (((0,), (0,)), ((), ())),
        preferred_element_type=jnp.float32,
    ) + b1_ref[...]
    c_ref[...] = jnp.concatenate(
        [_pack_halves(m), jnp.zeros((be, 64), jnp.float32)], axis=1)


def _mm_out_body(p_ref, w2_ref, o_ref):
    s = p_ref[0] + p_ref[1]
    o_ref[...] = jnp.dot(s, w2_ref[...], preferred_element_type=jnp.float32)


def _make_sc_edge_kernel(n_nodes, n_edges, feat):
    eps = n_edges // (NC * NS)
    chunks = eps // CH
    assert chunks % 2 == 0 and chunks % 8 == 2
    rps = (n_nodes // NS) // 8 * 8
    tail = n_nodes - NS * rps

    nvec = feat // LANES
    mesh = plsc.VectorSubcoreMesh(core_axis_name="c", subcore_axis_name="s")

    @functools.partial(
        pl.kernel,
        mesh=mesh,
        out_type=jax.ShapeDtypeStruct((NC, n_nodes, feat), jnp.float32),
        compiler_params=pltpu.CompilerParams(use_tc_tiling_on_sc=False,
                                             needs_layout_passes=False),
        scratch_types=[
            pltpu.VMEM_SHARED((n_nodes, feat), jnp.float32),
            pltpu.VMEM((16 * CH,), jnp.int32),
            pltpu.VMEM((16 * CH,), jnp.int32),
            pltpu.VMEM((CH, feat // 2), jnp.float32),
            pltpu.VMEM((CH, feat // 2), jnp.float32),
            pltpu.VMEM((CH, feat // 2), jnp.float32),
            pltpu.VMEM((CH, feat // 2), jnp.float32),
            pltpu.VMEM((CH, feat // 2), jnp.float32),
            pltpu.VMEM((CH, feat // 2), jnp.float32),
            pltpu.VMEM((CH, feat), jnp.float32),
            pltpu.VMEM((CH, feat), jnp.float32),
            [pltpu.SemaphoreType.DMA] * 8,
        ],
    )
    def sc_edge(a_hbm, b_hbm, c_hbm, src_hbm, dst_hbm, zero_hbm, out_hbm,
                s_sh, src_ring, dst_ring,
                a_v0, b_v0, c_v0, a_v1, b_v1, c_v1, t_v0, t_v1, sems):
        cid = lax.axis_index("c")
        sid = lax.axis_index("s")
        wid = cid * NS + sid
        sa0, sb0, sc0, sa1, sb1, sc1, ss0, ss1 = sems

        slab = pl.multiple_of(sid * rps, 8)
        pltpu.sync_copy(zero_hbm, s_sh.at[pl.ds(slab, rps)])

        @pl.when(sid == 0)
        def _zero_tail():
            pltpu.sync_copy(zero_hbm.at[pl.ds(0, tail)],
                            s_sh.at[pl.ds(NS * rps, tail)])

        base0 = wid * eps

        pltpu.sync_copy(src_hbm.at[pl.ds(pl.multiple_of(base0, 8), 16 * CH)],
                        src_ring)
        pltpu.sync_copy(dst_hbm.at[pl.ds(pl.multiple_of(base0, 8), 16 * CH)],
                        dst_ring)
        plsc.subcore_barrier()

        def c_slice(g):
            return c_hbm.at[pl.ds(pl.multiple_of(base0 + g * CH, 8), CH),
                            pl.ds(0, feat // 2)]

        def ring_slice(ring, g):
            r = pl.multiple_of(lax.rem(g, 16) * CH, 8)
            return ring.at[pl.ds(r, CH)]

        def issue(g, av, bv, cv, sa, sb, sc):
            pltpu.async_copy(a_hbm.at[ring_slice(src_ring, g)], av, sa)
            pltpu.async_copy(b_hbm.at[ring_slice(dst_ring, g)], bv, sb)
            pltpu.async_copy(c_slice(g), cv, sc)

        def drain(g, av, bv, cv, sa, sb, sc):
            pltpu.make_async_copy(a_hbm.at[ring_slice(src_ring, g)], av,
                                  sa).wait()
            pltpu.make_async_copy(b_hbm.at[ring_slice(dst_ring, g)], bv,
                                  sb).wait()
            pltpu.make_async_copy(c_slice(g), cv, sc).wait()

        half = feat // 2

        def compute(av, bv, cv, tv):
            def halves(v):
                u = plsc.bitcast(v, jnp.uint32)
                flo = plsc.bitcast(u << 16, jnp.float32)
                fhi = plsc.bitcast(u & jnp.uint32(0xFFFF0000), jnp.float32)
                return flo, fhi

            @plsc.parallel_loop(0, CH, unroll=2)
            def _body(j):
                for k in range(half // LANES):
                    sl = pl.ds(k * LANES, LANES)
                    alo, ahi = halves(av[j, sl])
                    blo, bhi = halves(bv[j, sl])
                    clo, chi = halves(cv[j, sl])
                    tv[j, sl] = jnp.maximum(alo + blo + clo, 0.0)
                    tv[j, pl.ds(half + k * LANES, LANES)] = jnp.maximum(
                        ahi + bhi + chi, 0.0)

        issue(0, a_v0, b_v0, c_v0, sa0, sb0, sc0)

        def pair_body(p, carry):
            g0 = p * 2

            @pl.when(lax.rem(p, 4) == 0)
            def _refill():
                tr = pl.multiple_of(lax.rem(g0 + 8, 16) * CH, 8)
                gn = pl.multiple_of(base0 + (g0 + 8) * CH, 8)

                @pl.when(g0 + 16 <= chunks)
                def _full():
                    pltpu.sync_copy(src_hbm.at[pl.ds(gn, 8 * CH)],
                                    src_ring.at[pl.ds(tr, 8 * CH)])
                    pltpu.sync_copy(dst_hbm.at[pl.ds(gn, 8 * CH)],
                                    dst_ring.at[pl.ds(tr, 8 * CH)])

                @pl.when(g0 + 8 == chunks - 2)
                def _tail2():
                    pltpu.sync_copy(src_hbm.at[pl.ds(gn, 2 * CH)],
                                    src_ring.at[pl.ds(tr, 2 * CH)])
                    pltpu.sync_copy(dst_hbm.at[pl.ds(gn, 2 * CH)],
                                    dst_ring.at[pl.ds(tr, 2 * CH)])

            drain(g0, a_v0, b_v0, c_v0, sa0, sb0, sc0)
            issue(g0 + 1, a_v1, b_v1, c_v1, sa1, sb1, sc1)
            compute(a_v0, b_v0, c_v0, t_v0)

            @pl.when(g0 + 2 < chunks)
            def _prefetch_next():
                issue(g0 + 2, a_v0, b_v0, c_v0, sa0, sb0, sc0)

            scat0 = pltpu.async_copy(
                t_v0, s_sh.at[ring_slice(dst_ring, g0)], ss0, add=True)
            drain(g0 + 1, a_v1, b_v1, c_v1, sa1, sb1, sc1)
            scat0.wait()
            compute(a_v1, b_v1, c_v1, t_v1)
            pltpu.async_copy(
                t_v1, s_sh.at[ring_slice(dst_ring, g0 + 1)], ss1,
                add=True).wait()
            return carry

        lax.fori_loop(0, chunks // 2, pair_body, 0)
        plsc.subcore_barrier()
        pltpu.sync_copy(
            s_sh.at[pl.ds(slab, rps)],
            out_hbm.at[cid, pl.ds(slab, rps)],
        )

        @pl.when(sid == 0)
        def _write_tail():
            pltpu.sync_copy(
                s_sh.at[pl.ds(NS * rps, tail)],
                out_hbm.at[cid, pl.ds(NS * rps, tail)],
            )

    return sc_edge


def kernel(h, e, edge_index, W1, b1, W2, b2):
    n, f_in = h.shape
    n_edges, d_edge = e.shape
    f_out = W2.shape[1]

    w1a = W1[:f_in]
    w1b = W1[f_in:2 * f_in]
    w1c = W1[2 * f_in:]
    src = edge_index[0].astype(jnp.int32)
    dst = edge_index[1].astype(jnp.int32)

    bm = 2000
    a_mat, b_mat = pl.pallas_call(
        _mm_ab_body,
        grid=(n // bm,),
        in_specs=[
            pl.BlockSpec((bm, f_in), lambda i: (i, 0)),
            pl.BlockSpec((f_in, f_out), lambda i: (0, 0)),
            pl.BlockSpec((f_in, f_out), lambda i: (0, 0)),
        ],
        out_specs=[
            pl.BlockSpec((bm, f_out // 2), lambda i: (i, 0)),
            pl.BlockSpec((bm, f_out // 2), lambda i: (i, 0)),
        ],
        out_shape=[
            jax.ShapeDtypeStruct((n, f_out // 2), jnp.float32),
            jax.ShapeDtypeStruct((n, f_out // 2), jnp.float32),
        ],
    )(h, w1a, w1b)

    be = 16000
    c_mat = pl.pallas_call(
        _mm_c_body,
        grid=(n_edges // be,),
        in_specs=[
            pl.BlockSpec((d_edge, be), lambda i: (0, i)),
            pl.BlockSpec((d_edge, f_out), lambda i: (0, 0)),
            pl.BlockSpec((1, f_out), lambda i: (0, 0)),
        ],
        out_specs=pl.BlockSpec((be, f_out), lambda i: (i, 0)),
        out_shape=jax.ShapeDtypeStruct((n_edges, f_out), jnp.float32),
    )(e.T, w1c, b1.reshape(1, f_out))

    zero_slab = jnp.zeros((n // NS // 8 * 8, f_out), jnp.float32)
    sc_edge = _make_sc_edge_kernel(n, n_edges, f_out)
    partials = sc_edge(a_mat, b_mat, c_mat, src, dst, zero_slab)

    out = pl.pallas_call(
        _mm_out_body,
        grid=(n // bm,),
        in_specs=[
            pl.BlockSpec((NC, bm, f_out), lambda i: (0, i, 0)),
            pl.BlockSpec((f_out, f_out), lambda i: (0, 0)),
        ],
        out_specs=pl.BlockSpec((bm, f_out), lambda i: (i, 0)),
        out_shape=jax.ShapeDtypeStruct((n, f_out), jnp.float32),
    )(partials, W2)
    return out

# --- scband reference (transcript-rebuilt; emitter-appended) ---
"""Pipeline reference for scband-edge-conv-layer-79216376807661 (READ-ONLY COPY).

The authoritative reference and input builder live on the scoring server;
editing this copy changes nothing except your own understanding.
"""

import jax, jax.numpy as jnp
import numpy as np

N = 10000
E = 320000
F_IN = 128
D_EDGE = 16
F_OUT = 128


def setup_inputs(seed: int = 0) -> dict:
    key = jax.random.key(seed)
    k1, k2, k3, k4, k5, k6, k7 = jax.random.split(key, 7)
    h = jax.random.normal(k1, (N, F_IN), dtype=jnp.float32)
    e = jax.random.normal(k2, (E, D_EDGE), dtype=jnp.float32)
    edge_index = jax.random.randint(k3, (2, E), 0, N, dtype=jnp.int64)
    # MLP params: Linear(2*F_IN + D_EDGE -> F_OUT), ReLU, Linear(F_OUT -> F_OUT)
    W1 = jax.random.normal(k4, (2 * F_IN + D_EDGE, F_OUT), dtype=jnp.float32) * 0.05
    b1 = jnp.zeros((F_OUT,), dtype=jnp.float32)
    W2 = jax.random.normal(k5, (F_OUT, F_OUT), dtype=jnp.float32) * 0.05
    b2 = jnp.zeros((F_OUT,), dtype=jnp.float32)
    return {"h": h, "e": e, "edge_index": edge_index, "W1": W1, "b1": b1, "W2": W2, "b2": b2}


def reference(h, e, edge_index, W1, b1, W2, b2):
    src = edge_index[0]
    dst = edge_index[1]
    # apply_edges: m = MLP(cat([h_src, h_dst, e]))
    h_src = jnp.take(h, src, axis=0)
    h_dst = jnp.take(h, dst, axis=0)
    m = jnp.concatenate([h_src, h_dst, e], axis=1)
    m = jax.nn.relu(m @ W1 + b1)
    m = m @ W2 + b2
    # update_all: copy_e + sum reduce over destination nodes
    h_new = jax.ops.segment_sum(m, dst, num_segments=h.shape[0])
    return h_new

if __name__ == "__main__":
    import jax
    _d = setup_inputs()
    print(jax.jit(kernel)(*tuple(_d.values())))

</pallas_src>

<mosaic_0001>
#map = affine_map<(d0, d1) -> (0, 0)>
#map1 = affine_map<(d0, d1) -> (0)>
#map2 = affine_map<(d0, d1) -> (0, 0, 0)>
module attributes {stable_mosaic.version = 14 : i64} {
  func.func @sc_edge(%arg0: i32, %arg1: i32, %arg2: memref<10000x64xf32, #tpu.memory_space<hbm>>, %arg3: memref<10000x64xf32, #tpu.memory_space<hbm>>, %arg4: memref<320000x128xf32, #tpu.memory_space<hbm>>, %arg5: memref<320000xi32, #tpu.memory_space<hbm>>, %arg6: memref<320000xi32, #tpu.memory_space<hbm>>, %arg7: memref<624x128xf32, #tpu.memory_space<hbm>>, %arg8: memref<2x10000x128xf32, #tpu.memory_space<hbm>>, %arg9: memref<10000x128xf32, #tpu.memory_space<vmem_shared>>, %arg10: memref<640xi32, #tpu.memory_space<vmem>>, %arg11: memref<640xi32, #tpu.memory_space<vmem>>, %arg12: memref<40x64xf32, #tpu.memory_space<vmem>>, %arg13: memref<40x64xf32, #tpu.memory_space<vmem>>, %arg14: memref<40x64xf32, #tpu.memory_space<vmem>>, %arg15: memref<40x64xf32, #tpu.memory_space<vmem>>, %arg16: memref<40x64xf32, #tpu.memory_space<vmem>>, %arg17: memref<40x64xf32, #tpu.memory_space<vmem>>, %arg18: memref<40x128xf32, #tpu.memory_space<vmem>>, %arg19: memref<40x128xf32, #tpu.memory_space<vmem>>, %arg20: memref<!tpu.dma_semaphore, #tpu.memory_space<semaphore_mem>>, %arg21: memref<!tpu.dma_semaphore, #tpu.memory_space<semaphore_mem>>, %arg22: memref<!tpu.dma_semaphore, #tpu.memory_space<semaphore_mem>>, %arg23: memref<!tpu.dma_semaphore, #tpu.memory_space<semaphore_mem>>, %arg24: memref<!tpu.dma_semaphore, #tpu.memory_space<semaphore_mem>>, %arg25: memref<!tpu.dma_semaphore, #tpu.memory_space<semaphore_mem>>, %arg26: memref<!tpu.dma_semaphore, #tpu.memory_space<semaphore_mem>>, %arg27: memref<!tpu.dma_semaphore, #tpu.memory_space<semaphore_mem>>) attributes {dimension_semantics = [#tpu.dimension_semantics<core_parallel>, #tpu.dimension_semantics<subcore_parallel>], iteration_bounds = array<i64: 2, 16>, scalar_prefetch = 0 : i64, scratch_operands = 19 : i64, tpu.core_type = #tpu.core_type<sc_vector_subcore>, window_params = [{transform_indices = #map}, {transform_indices = #map}, {transform_indices = #map}, {transform_indices = #map1}, {transform_indices = #map1}, {transform_indices = #map}, {transform_indices = #map2}]} {
    %mul3A = arith.constant 16 : i32
    %mul3A_0 = arith.muli %arg0, %mul3A : i32
    %add3A = arith.addi %mul3A_0, %arg1 : i32
    %mul3A_1 = arith.constant 624 : i32
    %mul3A_2 = arith.muli %arg1, %mul3A_1 : i32
    %multiple_of3A = tpu.assume_multiple %mul3A_2, 8 : i32
    "tpu.region"() ({
      %run_scoped3A = tpu.sem_alloc : memref<!tpu.dma_semaphore, #tpu.memory_space<semaphore_mem>>
      %dma_start3A_45 = arith.constant 0 : i32
      %dma_start3A_46 = tpu.memref_slice %arg9[%multiple_of3A, %dma_start3A_45] : memref<10000x128xf32, #tpu.memory_space<vmem_shared>> -> memref<624x128xf32, #tpu.memory_space<vmem_shared>>
      tpu.enqueue_dma source(%arg7 : memref<624x128xf32, #tpu.memory_space<hbm>>) target(%dma_start3A_46 : memref<624x128xf32, #tpu.memory_space<vmem_shared>>) target_semaphore(%run_scoped3A : memref<!tpu.dma_semaphore, #tpu.memory_space<semaphore_mem>>)
      %dma_wait3A = arith.constant 0 : i32
      %dma_wait3A_47 = tpu.memref_slice %arg9[%multiple_of3A, %dma_wait3A] : memref<10000x128xf32, #tpu.memory_space<vmem_shared>> -> memref<624x128xf32, #tpu.memory_space<vmem_shared>>
      tpu.wait_dma2 semaphore(%run_scoped3A : memref<!tpu.dma_semaphore, #tpu.memory_space<semaphore_mem>>) src(%arg7 : memref<624x128xf32, #tpu.memory_space<hbm>>) dst(%dma_wait3A_47 : memref<624x128xf32, #tpu.memory_space<vmem_shared>>)
      tpu.yield
    }) : () -> ()
    %eq3A = arith.constant 0 : i32
    %eq3A_3 = arith.cmpi eq, %arg1, %eq3A : i32
    %convert_element_type3A = arith.extui %eq3A_3 : i1 to i32
    %cond3A = arith.constant 0 : i32
    %cond3A_4 = arith.cmpi ne, %convert_element_type3A, %cond3A : i32
    scf.if %cond3A_4 {
      "tpu.region"() ({
        %run_scoped3A = tpu.sem_alloc : memref<!tpu.dma_semaphore, #tpu.memory_space<semaphore_mem>>
        %dma_start3A_45 = arith.constant 9984 : i32
        %dma_start3A_46 = arith.constant 0 : i32
        %dma_start3A_47 = tpu.memref_slice %arg9[%dma_start3A_45, %dma_start3A_46] : memref<10000x128xf32, #tpu.memory_space<vmem_shared>> -> memref<16x128xf32, #tpu.memory_space<vmem_shared>>
        %dma_start3A_48 = arith.constant 0 : i32
        %dma_start3A_49 = arith.constant 0 : i32
        %dma_start3A_50 = tpu.memref_slice %arg7[%dma_start3A_48, %dma_start3A_49] : memref<624x128xf32, #tpu.memory_space<hbm>> -> memref<16x128xf32, #tpu.memory_space<hbm>>
        tpu.enqueue_dma source(%dma_start3A_50 : memref<16x128xf32, #tpu.memory_space<hbm>>) target(%dma_start3A_47 : memref<16x128xf32, #tpu.memory_space<vmem_shared>>) target_semaphore(%run_scoped3A : memref<!tpu.dma_semaphore, #tpu.memory_space<semaphore_mem>>)
        %dma_wait3A = arith.constant 9984 : i32
        %dma_wait3A_51 = arith.constant 0 : i32
        %dma_wait3A_52 = tpu.memref_slice %arg9[%dma_wait3A, %dma_wait3A_51] : memref<10000x128xf32, #tpu.memory_space<vmem_shared>> -> memref<16x128xf32, #tpu.memory_space<vmem_shared>>
        %dma_wait3A_53 = arith.constant 0 : i32
        %dma_wait3A_54 = arith.constant 0 : i32
        %dma_wait3A_55 = tpu.memref_slice %arg7[%dma_wait3A_53, %dma_wait3A_54] : memref<624x128xf32, #tpu.memory_space<hbm>> -> memref<16x128xf32, #tpu.memory_space<hbm>>
        tpu.wait_dma2 semaphore(%run_scoped3A : memref<!tpu.dma_semaphore, #tpu.memory_space<semaphore_mem>>) src(%dma_wait3A_55 : memref<16x128xf32, #tpu.memory_space<hbm>>) dst(%dma_wait3A_52 : memref<16x128xf32, #tpu.memory_space<vmem_shared>>)
        tpu.yield
      }) : () -> ()
    } else {
    }
    %mul3A_5 = arith.constant 10000 : i32
    %mul3A_6 = arith.muli %add3A, %mul3A_5 : i32
    %multiple_of3A_7 = tpu.assume_multiple %mul3A_6, 8 : i32
    "tpu.region"() ({
      %run_scoped3A = tpu.sem_alloc : memref<!tpu.dma_semaphore, #tpu.memory_space<semaphore_mem>>
      %dma_start3A_45 = tpu.memref_slice %arg5[%multiple_of3A_7] : memref<320000xi32, #tpu.memory_space<hbm>> -> memref<640xi32, #tpu.memory_space<hbm>>
      %dma_start3A_46 = tpu.memref_slice %arg5[%multiple_of3A_7] : memref<320000xi32, #tpu.memory_space<hbm>> -> memref<640xi32, #tpu.memory_space<hbm>>
      tpu.enqueue_dma source(%dma_start3A_46 : memref<640xi32, #tpu.memory_space<hbm>>) target(%arg10 : memref<640xi32, #tpu.memory_space<vmem>>) target_semaphore(%run_scoped3A : memref<!tpu.dma_semaphore, #tpu.memory_space<semaphore_mem>>)
      %dma_wait3A = tpu.memref_slice %arg5[%multiple_of3A_7] : memref<320000xi32, #tpu.memory_space<hbm>> -> memref<640xi32, #tpu.memory_space<hbm>>
      %dma_wait3A_47 = tpu.memref_slice %arg5[%multiple_of3A_7] : memref<320000xi32, #tpu.memory_space<hbm>> -> memref<640xi32, #tpu.memory_space<hbm>>
      tpu.wait_dma2 semaphore(%run_scoped3A : memref<!tpu.dma_semaphore, #tpu.memory_space<semaphore_mem>>) src(%dma_wait3A_47 : memref<640xi32, #tpu.memory_space<hbm>>) dst(%arg10 : memref<640xi32, #tpu.memory_space<vmem>>)
      tpu.yield
    }) : () -> ()
    %multiple_of3A_8 = tpu.assume_multiple %mul3A_6, 8 : i32
    "tpu.region"() ({
      %run_scoped3A = tpu.sem_alloc : memref<!tpu.dma_semaphore, #tpu.memory_space<semaphore_mem>>
      %dma_start3A_45 = tpu.memref_slice %arg6[%multiple_of3A_8] : memref<320000xi32, #tpu.memory_space<hbm>> -> memref<640xi32, #tpu.memory_space<hbm>>
      %dma_start3A_46 = tpu.memref_slice %arg6[%multiple_of3A_8] : memref<320000xi32, #tpu.memory_space<hbm>> -> memref<640xi32, #tpu.memory_space<hbm>>
      tpu.enqueue_dma source(%dma_start3A_46 : memref<640xi32, #tpu.memory_space<hbm>>) target(%arg11 : memref<640xi32, #tpu.memory_space<vmem>>) target_semaphore(%run_scoped3A : memref<!tpu.dma_semaphore, #tpu.memory_space<semaphore_mem>>)
      %dma_wait3A = tpu.memref_slice %arg6[%multiple_of3A_8] : memref<320000xi32, #tpu.memory_space<hbm>> -> memref<640xi32, #tpu.memory_space<hbm>>
      %dma_wait3A_47 = tpu.memref_slice %arg6[%multiple_of3A_8] : memref<320000xi32, #tpu.memory_space<hbm>> -> memref<640xi32, #tpu.memory_space<hbm>>
      tpu.wait_dma2 semaphore(%run_scoped3A : memref<!tpu.dma_semaphore, #tpu.memory_space<semaphore_mem>>) src(%dma_wait3A_47 : memref<640xi32, #tpu.memory_space<hbm>>) dst(%arg11 : memref<640xi32, #tpu.memory_space<vmem>>)
      tpu.yield
    }) : () -> ()
    %barrier3A = arith.constant 0 : index
    tpu.barrier barrier_id(%barrier3A)
    %rem3A = arith.constant 0 : i32
    %rem3A_9 = arith.constant 16 : i32
    %rem3A_10 = arith.remsi %rem3A, %rem3A_9 : i32
    %mul3A_11 = arith.constant 40 : i32
    %mul3A_12 = arith.muli %rem3A_10, %mul3A_11 : i32
    %multiple_of3A_13 = tpu.assume_multiple %mul3A_12, 8 : i32
    %dma_start3A = tpu.memref_slice %arg10[%multiple_of3A_13] : memref<640xi32, #tpu.memory_space<vmem>> -> memref<40xi32, #tpu.memory_space<vmem>>
    %dma_start3A_14 = arith.constant 0 : i32
    %dma_start3A_15 = arith.constant 0 : i32
    %dma_start3A_16 = tpu.memref_slice %arg2[%dma_start3A_14, %dma_start3A_15] : memref<10000x64xf32, #tpu.memory_space<hbm>> -> memref<10000x64xf32, #tpu.memory_space<hbm>>
    tpu.enqueue_indirect_dma source(%dma_start3A_16 : memref<10000x64xf32, #tpu.memory_space<hbm>>) target(%arg12 : memref<40x64xf32, #tpu.memory_space<vmem>>) offsets(%dma_start3A : memref<40xi32, #tpu.memory_space<vmem>>) semaphore(%arg20 : memref<!tpu.dma_semaphore, #tpu.memory_space<semaphore_mem>>)
    %rem3A_17 = arith.constant 0 : i32
    %rem3A_18 = arith.constant 16 : i32
    %rem3A_19 = arith.remsi %rem3A_17, %rem3A_18 : i32
    %mul3A_20 = arith.constant 40 : i32
    %mul3A_21 = arith.muli %rem3A_19, %mul3A_20 : i32
    %multiple_of3A_22 = tpu.assume_multiple %mul3A_21, 8 : i32
    %dma_start3A_23 = tpu.memref_slice %arg11[%multiple_of3A_22] : memref<640xi32, #tpu.memory_space<vmem>> -> memref<40xi32, #tpu.memory_space<vmem>>
    %dma_start3A_24 = arith.constant 0 : i32
    %dma_start3A_25 = arith.constant 0 : i32
    %dma_start3A_26 = tpu.memref_slice %arg3[%dma_start3A_24, %dma_start3A_25] : memref<10000x64xf32, #tpu.memory_space<hbm>> -> memref<10000x64xf32, #tpu.memory_space<hbm>>
    tpu.enqueue_indirect_dma source(%dma_start3A_26 : memref<10000x64xf32, #tpu.memory_space<hbm>>) target(%arg13 : memref<40x64xf32, #tpu.memory_space<vmem>>) offsets(%dma_start3A_23 : memref<40xi32, #tpu.memory_space<vmem>>) semaphore(%arg21 : memref<!tpu.dma_semaphore, #tpu.memory_space<semaphore_mem>>)
    %add3A_27 = arith.constant 0 : i32
    %add3A_28 = arith.addi %mul3A_6, %add3A_27 : i32
    %multiple_of3A_29 = tpu.assume_multiple %add3A_28, 8 : i32
    %dma_start3A_30 = arith.constant 0 : i32
    %dma_start3A_31 = tpu.memref_slice %arg4[%multiple_of3A_29, %dma_start3A_30] : memref<320000x128xf32, #tpu.memory_space<hbm>> -> memref<40x64xf32, #tpu.memory_space<hbm>>
    %dma_start3A_32 = arith.constant 0 : i32
    %dma_start3A_33 = tpu.memref_slice %arg4[%multiple_of3A_29, %dma_start3A_32] : memref<320000x128xf32, #tpu.memory_space<hbm>> -> memref<40x64xf32, #tpu.memory_space<hbm>>
    tpu.enqueue_dma source(%dma_start3A_33 : memref<40x64xf32, #tpu.memory_space<hbm>>) target(%arg14 : memref<40x64xf32, #tpu.memory_space<vmem>>) target_semaphore(%arg22 : memref<!tpu.dma_semaphore, #tpu.memory_space<semaphore_mem>>)
    %scan3A = arith.constant 0 : i32
    %scan3A_34 = arith.constant 0 : i32
    %scan3A_35 = arith.constant 125 : i32
    %scan3A_36 = arith.addi %scan3A_34, %scan3A_35 : i32
    %scan3A_37 = arith.constant 1 : i32
    scf.for %scan3A_45 = %scan3A_34 to %scan3A_36 step %scan3A_37  : i32 {
      %mul3A_46 = arith.constant 2 : i32
      %mul3A_47 = arith.muli %scan3A_45, %mul3A_46 : i32
      %rem3A_48 = arith.constant 4 : i32
      %rem3A_49 = arith.remsi %scan3A_45, %rem3A_48 : i32
      %eq3A_50 = arith.constant 0 : i32
      %eq3A_51 = arith.cmpi eq, %rem3A_49, %eq3A_50 : i32
      %convert_element_type3A_52 = arith.extui %eq3A_51 : i1 to i32
      %cond3A_53 = arith.constant 0 : i32
      %cond3A_54 = arith.cmpi ne, %convert_element_type3A_52, %cond3A_53 : i32
      scf.if %cond3A_54 {
        %add3A_175 = arith.constant 8 : i32
        %add3A_176 = arith.addi %mul3A_47, %add3A_175 : i32
        %rem3A_177 = arith.constant 16 : i32
        %rem3A_178 = arith.remsi %add3A_176, %rem3A_177 : i32
        %mul3A_179 = arith.constant 40 : i32
        %mul3A_180 = arith.muli %rem3A_178, %mul3A_179 : i32
        %multiple_of3A_181 = tpu.assume_multiple %mul3A_180, 8 : i32
        %add3A_182 = arith.constant 8 : i32
        %add3A_183 = arith.addi %mul3A_47, %add3A_182 : i32
        %mul3A_184 = arith.constant 40 : i32
        %mul3A_185 = arith.muli %add3A_183, %mul3A_184 : i32
        %add3A_186 = arith.addi %mul3A_6, %mul3A_185 : i32
        %multiple_of3A_187 = tpu.assume_multiple %add3A_186, 8 : i32
        %add3A_188 = arith.constant 16 : i32
        %add3A_189 = arith.addi %mul3A_47, %add3A_188 : i32
        %le3A = arith.constant 250 : i32
        %le3A_190 = arith.cmpi sle, %add3A_189, %le3A : i32
        %convert_element_type3A_191 = arith.extui %le3A_190 : i1 to i32
        %cond3A_192 = arith.constant 0 : i32
        %cond3A_193 = arith.cmpi ne, %convert_element_type3A_191, %cond3A_192 : i32
        scf.if %cond3A_193 {
          "tpu.region"() ({
            %run_scoped3A = tpu.sem_alloc : memref<!tpu.dma_semaphore, #tpu.memory_space<semaphore_mem>>
            %dma_start3A_201 = tpu.memref_slice %arg10[%multiple_of3A_181] : memref<640xi32, #tpu.memory_space<vmem>> -> memref<320xi32, #tpu.memory_space<vmem>>
            %dma_start3A_202 = tpu.memref_slice %arg5[%multiple_of3A_187] : memref<320000xi32, #tpu.memory_space<hbm>> -> memref<320xi32, #tpu.memory_space<hbm>>
            %dma_start3A_203 = tpu.memref_slice %arg10[%multiple_of3A_181] : memref<640xi32, #tpu.memory_space<vmem>> -> memref<320xi32, #tpu.memory_space<vmem>>
            %dma_start3A_204 = tpu.memref_slice %arg5[%multiple_of3A_187] : memref<320000xi32, #tpu.memory_space<hbm>> -> memref<320xi32, #tpu.memory_space<hbm>>
            tpu.enqueue_dma source(%dma_start3A_204 : memref<320xi32, #tpu.memory_space<hbm>>) target(%dma_start3A_203 : memref<320xi32, #tpu.memory_space<vmem>>) target_semaphore(%run_scoped3A : memref<!tpu.dma_semaphore, #tpu.memory_space<semaphore_mem>>)
            %dma_wait3A_205 = tpu.memref_slice %arg10[%multiple_of3A_181] : memref<640xi32, #tpu.memory_space<vmem>> -> memref<320xi32, #tpu.memory_space<vmem>>
            %dma_wait3A_206 = tpu.memref_slice %arg5[%multiple_of3A_187] : memref<320000xi32, #tpu.memory_space<hbm>> -> memref<320xi32, #tpu.memory_space<hbm>>
            %dma_wait3A_207 = tpu.memref_slice %arg10[%multiple_of3A_181] : memref<640xi32, #tpu.memory_space<vmem>> -> memref<320xi32, #tpu.memory_space<vmem>>
            %dma_wait3A_208 = tpu.memref_slice %arg5[%multiple_of3A_187] : memref<320000xi32, #tpu.memory_space<hbm>> -> memref<320xi32, #tpu.memory_space<hbm>>
            tpu.wait_dma2 semaphore(%run_scoped3A : memref<!tpu.dma_semaphore, #tpu.memory_space<semaphore_mem>>) src(%dma_wait3A_208 : memref<320xi32, #tpu.memory_space<hbm>>) dst(%dma_wait3A_207 : memref<320xi32, #tpu.memory_space<vmem>>)
            tpu.yield
          }) : () -> ()
          "tpu.region"() ({
            %run_scoped3A = tpu.sem_alloc : memref<!tpu.dma_semaphore, #tpu.memory_space<semaphore_mem>>
            %dma_start3A_201 = tpu.memref_slice %arg11[%multiple_of3A_181] : memref<640xi32, #tpu.memory_space<vmem>> -> memref<320xi32, #tpu.memory_space<vmem>>
            %dma_start3A_202 = tpu.memref_slice %arg6[%multiple_of3A_187] : memref<320000xi32, #tpu.memory_space<hbm>> -> memref<320xi32, #tpu.memory_space<hbm>>
            %dma_start3A_203 = tpu.memref_slice %arg11[%multiple_of3A_181] : memref<640xi32, #tpu.memory_space<vmem>> -> memref<320xi32, #tpu.memory_space<vmem>>
            %dma_start3A_204 = tpu.memref_slice %arg6[%multiple_of3A_187] : memref<320000xi32, #tpu.memory_space<hbm>> -> memref<320xi32, #tpu.memory_space<hbm>>
            tpu.enqueue_dma source(%dma_start3A_204 : memref<320xi32, #tpu.memory_space<hbm>>) target(%dma_start3A_203 : memref<320xi32, #tpu.memory_space<vmem>>) target_semaphore(%run_scoped3A : memref<!tpu.dma_semaphore, #tpu.memory_space<semaphore_mem>>)
            %dma_wait3A_205 = tpu.memref_slice %arg11[%multiple_of3A_181] : memref<640xi32, #tpu.memory_space<vmem>> -> memref<320xi32, #tpu.memory_space<vmem>>
            %dma_wait3A_206 = tpu.memref_slice %arg6[%multiple_of3A_187] : memref<320000xi32, #tpu.memory_space<hbm>> -> memref<320xi32, #tpu.memory_space<hbm>>
            %dma_wait3A_207 = tpu.memref_slice %arg11[%multiple_of3A_181] : memref<640xi32, #tpu.memory_space<vmem>> -> memref<320xi32, #tpu.memory_space<vmem>>
            %dma_wait3A_208 = tpu.memref_slice %arg6[%multiple_of3A_187] : memref<320000xi32, #tpu.memory_space<hbm>> -> memref<320xi32, #tpu.memory_space<hbm>>
            tpu.wait_dma2 semaphore(%run_scoped3A : memref<!tpu.dma_semaphore, #tpu.memory_space<semaphore_mem>>) src(%dma_wait3A_208 : memref<320xi32, #tpu.memory_space<hbm>>) dst(%dma_wait3A_207 : memref<320xi32, #tpu.memory_space<vmem>>)
            tpu.yield
          }) : () -> ()
        } else {
        }
        %add3A_194 = arith.constant 8 : i32
        %add3A_195 = arith.addi %mul3A_47, %add3A_194 : i32
        %eq3A_196 = arith.constant 248 : i32
        %eq3A_197 = arith.cmpi eq, %add3A_195, %eq3A_196 : i32
        %convert_element_type3A_198 = arith.extui %eq3A_197 : i1 to i32
        %cond3A_199 = arith.constant 0 : i32
        %cond3A_200 = arith.cmpi ne, %convert_element_type3A_198, %cond3A_199 : i32
        scf.if %cond3A_200 {
          "tpu.region"() ({
            %run_scoped3A = tpu.sem_alloc : memref<!tpu.dma_semaphore, #tpu.memory_space<semaphore_mem>>
            %dma_start3A_201 = tpu.memref_slice %arg10[%multiple_of3A_181] : memref<640xi32, #tpu.memory_space<vmem>> -> memref<80xi32, #tpu.memory_space<vmem>>
            %dma_start3A_202 = tpu.memref_slice %arg5[%multiple_of3A_187] : memref<320000xi32, #tpu.memory_space<hbm>> -> memref<80xi32, #tpu.memory_space<hbm>>
            %dma_start3A_203 = tpu.memref_slice %arg10[%multiple_of3A_181] : memref<640xi32, #tpu.memory_space<vmem>> -> memref<80xi32, #tpu.memory_space<vmem>>
            %dma_start3A_204 = tpu.memref_slice %arg5[%multiple_of3A_187] : memref<320000xi32, #tpu.memory_space<hbm>> -> memref<80xi32, #tpu.memory_space<hbm>>
            tpu.enqueue_dma source(%dma_start3A_204 : memref<80xi32, #tpu.memory_space<hbm>>) target(%dma_start3A_203 : memref<80xi32, #tpu.memory_space<vmem>>) target_semaphore(%run_scoped3A : memref<!tpu.dma_semaphore, #tpu.memory_space<semaphore_mem>>)
            %dma_wait3A_205 = tpu.memref_slice %arg10[%multiple_of3A_181] : memref<640xi32, #tpu.memory_space<vmem>> -> memref<80xi32, #tpu.memory_space<vmem>>
            %dma_wait3A_206 = tpu.memref_slice %arg5[%multiple_of3A_187] : memref<320000xi32, #tpu.memory_space<hbm>> -> memref<80xi32, #tpu.memory_space<hbm>>
            %dma_wait3A_207 = tpu.memref_slice %arg10[%multiple_of3A_181] : memref<640xi32, #tpu.memory_space<vmem>> -> memref<80xi32, #tpu.memory_space<vmem>>
            %dma_wait3A_208 = tpu.memref_slice %arg5[%multiple_of3A_187] : memref<320000xi32, #tpu.memory_space<hbm>> -> memref<80xi32, #tpu.memory_space<hbm>>
            tpu.wait_dma2 semaphore(%run_scoped3A : memref<!tpu.dma_semaphore, #tpu.memory_space<semaphore_mem>>) src(%dma_wait3A_208 : memref<80xi32, #tpu.memory_space<hbm>>) dst(%dma_wait3A_207 : memref<80xi32, #tpu.memory_space<vmem>>)
            tpu.yield
          }) : () -> ()
          "tpu.region"() ({
            %run_scoped3A = tpu.sem_alloc : memref<!tpu.dma_semaphore, #tpu.memory_space<semaphore_mem>>
            %dma_start3A_201 = tpu.memref_slice %arg11[%multiple_of3A_181] : memref<640xi32, #tpu.memory_space<vmem>> -> memref<80xi32, #tpu.memory_space<vmem>>
            %dma_start3A_202 = tpu.memref_slice %arg6[%multiple_of3A_187] : memref<320000xi32, #tpu.memory_space<hbm>> -> memref<80xi32, #tpu.memory_space<hbm>>
            %dma_start3A_203 = tpu.memref_slice %arg11[%multiple_of3A_181] : memref<640xi32, #tpu.memory_space<vmem>> -> memref<80xi32, #tpu.memory_space<vmem>>
            %dma_start3A_204 = tpu.memref_slice %arg6[%multiple_of3A_187] : memref<320000xi32, #tpu.memory_space<hbm>> -> memref<80xi32, #tpu.memory_space<hbm>>
            tpu.enqueue_dma source(%dma_start3A_204 : memref<80xi32, #tpu.memory_space<hbm>>) target(%dma_start3A_203 : memref<80xi32, #tpu.memory_space<vmem>>) target_semaphore(%run_scoped3A : memref<!tpu.dma_semaphore, #tpu.memory_space<semaphore_mem>>)
            %dma_wait3A_205 = tpu.memref_slice %arg11[%multiple_of3A_181] : memref<640xi32, #tpu.memory_space<vmem>> -> memref<80xi32, #tpu.memory_space<vmem>>
            %dma_wait3A_206 = tpu.memref_slice %arg6[%multiple_of3A_187] : memref<320000xi32, #tpu.memory_space<hbm>> -> memref<80xi32, #tpu.memory_space<hbm>>
            %dma_wait3A_207 = tpu.memref_slice %arg11[%multiple_of3A_181] : memref<640xi32, #tpu.memory_space<vmem>> -> memref<80xi32, #tpu.memory_space<vmem>>
            %dma_wait3A_208 = tpu.memref_slice %arg6[%multiple_of3A_187] : memref<320000xi32, #tpu.memory_space<hbm>> -> memref<80xi32, #tpu.memory_space<hbm>>
            tpu.wait_dma2 semaphore(%run_scoped3A : memref<!tpu.dma_semaphore, #tpu.memory_space<semaphore_mem>>) src(%dma_wait3A_208 : memref<80xi32, #tpu.memory_space<hbm>>) dst(%dma_wait3A_207 : memref<80xi32, #tpu.memory_space<vmem>>)
            tpu.yield
          }) : () -> ()
        } else {
        }
      } else {
      }
      %rem3A_55 = arith.constant 16 : i32
      %rem3A_56 = arith.remsi %mul3A_47, %rem3A_55 : i32
      %mul3A_57 = arith.constant 40 : i32
      %mul3A_58 = arith.muli %rem3A_56, %mul3A_57 : i32
      %multiple_of3A_59 = tpu.assume_multiple %mul3A_58, 8 : i32
      %dma_wait3A = tpu.memref_slice %arg10[%multiple_of3A_59] : memref<640xi32, #tpu.memory_space<vmem>> -> memref<40xi32, #tpu.memory_space<vmem>>
      %dma_wait3A_60 = arith.constant 0 : i32
      %dma_wait3A_61 = arith.constant 0 : i32
      %dma_wait3A_62 = tpu.memref_slice %arg2[%dma_wait3A_60, %dma_wait3A_61] : memref<10000x64xf32, #tpu.memory_space<hbm>> -> memref<10000x64xf32, #tpu.memory_space<hbm>>
      tpu.wait_indirect_dma semaphore(%arg20 : memref<!tpu.dma_semaphore, #tpu.memory_space<semaphore_mem>>) src(%dma_wait3A_62 : memref<10000x64xf32, #tpu.memory_space<hbm>>) dst(%arg12 : memref<40x64xf32, #tpu.memory_space<vmem>>)
      %rem3A_63 = arith.constant 16 : i32
      %rem3A_64 = arith.remsi %mul3A_47, %rem3A_63 : i32
      %mul3A_65 = arith.constant 40 : i32
      %mul3A_66 = arith.muli %rem3A_64, %mul3A_65 : i32
      %multiple_of3A_67 = tpu.assume_multiple %mul3A_66, 8 : i32
      %dma_wait3A_68 = tpu.memref_slice %arg11[%multiple_of3A_67] : memref<640xi32, #tpu.memory_space<vmem>> -> memref<40xi32, #tpu.memory_space<vmem>>
      %dma_wait3A_69 = arith.constant 0 : i32
      %dma_wait3A_70 = arith.constant 0 : i32
      %dma_wait3A_71 = tpu.memref_slice %arg3[%dma_wait3A_69, %dma_wait3A_70] : memref<10000x64xf32, #tpu.memory_space<hbm>> -> memref<10000x64xf32, #tpu.memory_space<hbm>>
      tpu.wait_indirect_dma semaphore(%arg21 : memref<!tpu.dma_semaphore, #tpu.memory_space<semaphore_mem>>) src(%dma_wait3A_71 : memref<10000x64xf32, #tpu.memory_space<hbm>>) dst(%arg13 : memref<40x64xf32, #tpu.memory_space<vmem>>)
      %mul3A_72 = arith.constant 40 : i32
      %mul3A_73 = arith.muli %mul3A_47, %mul3A_72 : i32
      %add3A_74 = arith.addi %mul3A_6, %mul3A_73 : i32
      %multiple_of3A_75 = tpu.assume_multiple %add3A_74, 8 : i32
      %dma_wait3A_76 = arith.constant 0 : i32
      %dma_wait3A_77 = tpu.memref_slice %arg4[%multiple_of3A_75, %dma_wait3A_76] : memref<320000x128xf32, #tpu.memory_space<hbm>> -> memref<40x64xf32, #tpu.memory_space<hbm>>
      %dma_wait3A_78 = arith.constant 0 : i32
      %dma_wait3A_79 = tpu.memref_slice %arg4[%multiple_of3A_75, %dma_wait3A_78] : memref<320000x128xf32, #tpu.memory_space<hbm>> -> memref<40x64xf32, #tpu.memory_space<hbm>>
      tpu.wait_dma2 semaphore(%arg22 : memref<!tpu.dma_semaphore, #tpu.memory_space<semaphore_mem>>) src(%dma_wait3A_79 : memref<40x64xf32, #tpu.memory_space<hbm>>) dst(%arg14 : memref<40x64xf32, #tpu.memory_space<vmem>>)
      %add3A_80 = arith.constant 1 : i32
      %add3A_81 = arith.addi %mul3A_47, %add3A_80 : i32
      %rem3A_82 = arith.constant 16 : i32
      %rem3A_83 = arith.remsi %add3A_81, %rem3A_82 : i32
      %mul3A_84 = arith.constant 40 : i32
      %mul3A_85 = arith.muli %rem3A_83, %mul3A_84 : i32
      %multiple_of3A_86 = tpu.assume_multiple %mul3A_85, 8 : i32
      %dma_start3A_87 = tpu.memref_slice %arg10[%multiple_of3A_86] : memref<640xi32, #tpu.memory_space<vmem>> -> memref<40xi32, #tpu.memory_space<vmem>>
      %dma_start3A_88 = arith.constant 0 : i32
      %dma_start3A_89 = arith.constant 0 : i32
      %dma_start3A_90 = tpu.memref_slice %arg2[%dma_start3A_88, %dma_start3A_89] : memref<10000x64xf32, #tpu.memory_space<hbm>> -> memref<10000x64xf32, #tpu.memory_space<hbm>>
      tpu.enqueue_indirect_dma source(%dma_start3A_90 : memref<10000x64xf32, #tpu.memory_space<hbm>>) target(%arg15 : memref<40x64xf32, #tpu.memory_space<vmem>>) offsets(%dma_start3A_87 : memref<40xi32, #tpu.memory_space<vmem>>) semaphore(%arg23 : memref<!tpu.dma_semaphore, #tpu.memory_space<semaphore_mem>>)
      %rem3A_91 = arith.constant 16 : i32
      %rem3A_92 = arith.remsi %add3A_81, %rem3A_91 : i32
      %mul3A_93 = arith.constant 40 : i32
      %mul3A_94 = arith.muli %rem3A_92, %mul3A_93 : i32
      %multiple_of3A_95 = tpu.assume_multiple %mul3A_94, 8 : i32
      %dma_start3A_96 = tpu.memref_slice %arg11[%multiple_of3A_95] : memref<640xi32, #tpu.memory_space<vmem>> -> memref<40xi32, #tpu.memory_space<vmem>>
      %dma_start3A_97 = arith.constant 0 : i32
      %dma_start3A_98 = arith.constant 0 : i32
      %dma_start3A_99 = tpu.memref_slice %arg3[%dma_start3A_97, %dma_start3A_98] : memref<10000x64xf32, #tpu.memory_space<hbm>> -> memref<10000x64xf32, #tpu.memory_space<hbm>>
      tpu.enqueue_indirect_dma source(%dma_start3A_99 : memref<10000x64xf32, #tpu.memory_space<hbm>>) target(%arg16 : memref<40x64xf32, #tpu.memory_space<vmem>>) offsets(%dma_start3A_96 : memref<40xi32, #tpu.memory_space<vmem>>) semaphore(%arg24 : memref<!tpu.dma_semaphore, #tpu.memory_space<semaphore_mem>>)
      %mul3A_100 = arith.constant 40 : i32
      %mul3A_101 = arith.muli %add3A_81, %mul3A_100 : i32
      %add3A_102 = arith.addi %mul3A_6, %mul3A_101 : i32
      %multiple_of3A_103 = tpu.assume_multiple %add3A_102, 8 : i32
      %dma_start3A_104 = arith.constant 0 : i32
      %dma_start3A_105 = tpu.memref_slice %arg4[%multiple_of3A_103, %dma_start3A_104] : memref<320000x128xf32, #tpu.memory_space<hbm>> -> memref<40x64xf32, #tpu.memory_space<hbm>>
      %dma_start3A_106 = arith.constant 0 : i32
      %dma_start3A_107 = tpu.memref_slice %arg4[%multiple_of3A_103, %dma_start3A_106] : memref<320000x128xf32, #tpu.memory_space<hbm>> -> memref<40x64xf32, #tpu.memory_space<hbm>>
      tpu.enqueue_dma source(%dma_start3A_107 : memref<40x64xf32, #tpu.memory_space<hbm>>) target(%arg17 : memref<40x64xf32, #tpu.memory_space<vmem>>) target_semaphore(%arg25 : memref<!tpu.dma_semaphore, #tpu.memory_space<semaphore_mem>>)
      %parallel_loop3A = arith.constant 0 : i32
      %parallel_loop3A_108 = arith.constant 40 : i32
      %parallel_loop3A_109 = arith.constant 1 : i32
      scf.for %parallel_loop3A_175 = %parallel_loop3A to %parallel_loop3A_108 step %parallel_loop3A_109  : i32 {
        %parallel_loop3A_176 = arith.index_cast %parallel_loop3A_175 : i32 to index
        %parallel_loop3A_177 = arith.constant 0 : index
        %parallel_loop3A_178 = tpu.vector_load %arg12[%parallel_loop3A_176, %parallel_loop3A_177] {strides = array<i32>} : memref<40x64xf32, #tpu.memory_space<vmem>>, vector<16xf32>,
        %parallel_loop3A_179 = vector.bitcast %parallel_loop3A_178 : vector<16xf32> to vector<16xi32>
        %parallel_loop3A_180 = arith.constant 16 : i32
        %parallel_loop3A_181 = vector.broadcast %parallel_loop3A_180 : i32 to vector<16xi32>
        %parallel_loop3A_182 = arith.shli %parallel_loop3A_179, %parallel_loop3A_181 : vector<16xi32>
        %parallel_loop3A_183 = vector.bitcast %parallel_loop3A_182 : vector<16xi32> to vector<16xf32>
        %parallel_loop3A_184 = arith.constant -65536 : i32
        %parallel_loop3A_185 = vector.broadcast %parallel_loop3A_184 : i32 to vector<16xi32>
        %parallel_loop3A_186 = arith.andi %parallel_loop3A_179, %parallel_loop3A_185 : vector<16xi32>
        %parallel_loop3A_187 = vector.bitcast %parallel_loop3A_186 : vector<16xi32> to vector<16xf32>
        %parallel_loop3A_188 = arith.index_cast %parallel_loop3A_175 : i32 to index
        %parallel_loop3A_189 = arith.constant 0 : index
        %parallel_loop3A_190 = tpu.vector_load %arg13[%parallel_loop3A_188, %parallel_loop3A_189] {strides = array<i32>} : memref<40x64xf32, #tpu.memory_space<vmem>>, vector<16xf32>,
        %parallel_loop3A_191 = vector.bitcast %parallel_loop3A_190 : vector<16xf32> to vector<16xi32>
        %parallel_loop3A_192 = arith.constant 16 : i32
        %parallel_loop3A_193 = vector.broadcast %parallel_loop3A_192 : i32 to vector<16xi32>
        %parallel_loop3A_194 = arith.shli %parallel_loop3A_191, %parallel_loop3A_193 : vector<16xi32>
        %parallel_loop3A_195 = vector.bitcast %parallel_loop3A_194 : vector<16xi32> to vector<16xf32>
        %parallel_loop3A_196 = arith.constant -65536 : i32
        %parallel_loop3A_197 = vector.broadcast %parallel_loop3A_196 : i32 to vector<16xi32>
        %parallel_loop3A_198 = arith.andi %parallel_loop3A_191, %parallel_loop3A_197 : vector<16xi32>
        %parallel_loop3A_199 = vector.bitcast %parallel_loop3A_198 : vector<16xi32> to vector<16xf32>
        %parallel_loop3A_200 = arith.index_cast %parallel_loop3A_175 : i32 to index
        %parallel_loop3A_201 = arith.constant 0 : index
        %parallel_loop3A_202 = tpu.vector_load %arg14[%parallel_loop3A_200, %parallel_loop3A_201] {strides = array<i32>} : memref<40x64xf32, #tpu.memory_space<vmem>>, vector<16xf32>,
        %parallel_loop3A_203 = vector.bitcast %parallel_loop3A_202 : vector<16xf32> to vector<16xi32>
        %parallel_loop3A_204 = arith.constant 16 : i32
        %parallel_loop3A_205 = vector.broadcast %parallel_loop3A_204 : i32 to vector<16xi32>
        %parallel_loop3A_206 = arith.shli %parallel_loop3A_203, %parallel_loop3A_205 : vector<16xi32>
        %parallel_loop3A_207 = vector.bitcast %parallel_loop3A_206 : vector<16xi32> to vector<16xf32>
        %parallel_loop3A_208 = arith.constant -65536 : i32
        %parallel_loop3A_209 = vector.broadcast %parallel_loop3A_208 : i32 to vector<16xi32>
        %parallel_loop3A_210 = arith.andi %parallel_loop3A_203, %parallel_loop3A_209 : vector<16xi32>
        %parallel_loop3A_211 = vector.bitcast %parallel_loop3A_210 : vector<16xi32> to vector<16xf32>
        %parallel_loop3A_212 = arith.addf %parallel_loop3A_183, %parallel_loop3A_195 : vector<16xf32>
        %parallel_loop3A_213 = arith.addf %parallel_loop3A_212, %parallel_loop3A_207 : vector<16xf32>
        %parallel_loop3A_214 = arith.constant 0.000000e+00 : f32
        %parallel_loop3A_215 = vector.broadcast %parallel_loop3A_214 : f32 to vector<16xf32>
        %parallel_loop3A_216 = arith.maximumf %parallel_loop3A_213, %parallel_loop3A_215 : vector<16xf32>
        %parallel_loop3A_217 = arith.index_cast %parallel_loop3A_175 : i32 to index
        %parallel_loop3A_218 = arith.constant 0 : index
        %parallel_loop3A_219 = tpu.vector_load %arg18[%parallel_loop3A_217, %parallel_loop3A_218] {strides = array<i32>} : memref<40x128xf32, #tpu.memory_space<vmem>>, vector<16xf32>,
        tpu.vector_store %arg18[%parallel_loop3A_217, %parallel_loop3A_218], %parallel_loop3A_216 {strides = array<i32>} : memref<40x128xf32, #tpu.memory_space<vmem>>, vector<16xf32>,
        %parallel_loop3A_220 = arith.addf %parallel_loop3A_187, %parallel_loop3A_199 : vector<16xf32>
        %parallel_loop3A_221 = arith.addf %parallel_loop3A_220, %parallel_loop3A_211 : vector<16xf32>
        %parallel_loop3A_222 = arith.constant 0.000000e+00 : f32
        %parallel_loop3A_223 = vector.broadcast %parallel_loop3A_222 : f32 to vector<16xf32>
        %parallel_loop3A_224 = arith.maximumf %parallel_loop3A_221, %parallel_loop3A_223 : vector<16xf32>
        %parallel_loop3A_225 = arith.index_cast %parallel_loop3A_175 : i32 to index
        %parallel_loop3A_226 = arith.constant 64 : index
        %parallel_loop3A_227 = tpu.vector_load %arg18[%parallel_loop3A_225, %parallel_loop3A_226] {strides = array<i32>} : memref<40x128xf32, #tpu.memory_space<vmem>>, vector<16xf32>,
        tpu.vector_store %arg18[%parallel_loop3A_225, %parallel_loop3A_226], %parallel_loop3A_224 {strides = array<i32>} : memref<40x128xf32, #tpu.memory_space<vmem>>, vector<16xf32>,
        %parallel_loop3A_228 = arith.index_cast %parallel_loop3A_175 : i32 to index
        %parallel_loop3A_229 = arith.constant 16 : index
        %parallel_loop3A_230 = tpu.vector_load %arg12[%parallel_loop3A_228, %parallel_loop3A_229] {strides = array<i32>} : memref<40x64xf32, #tpu.memory_space<vmem>>, vector<16xf32>,
        %parallel_loop3A_231 = vector.bitcast %parallel_loop3A_230 : vector<16xf32> to vector<16xi32>
        %parallel_loop3A_232 = arith.constant 16 : i32
        %parallel_loop3A_233 = vector.broadcast %parallel_loop3A_232 : i32 to vector<16xi32>
        %parallel_loop3A_234 = arith.shli %parallel_loop3A_231, %parallel_loop3A_233 : vector<16xi32>
        %parallel_loop3A_235 = vector.bitcast %parallel_loop3A_234 : vector<16xi32> to vector<16xf32>
        %parallel_loop3A_236 = arith.constant -65536 : i32
        %parallel_loop3A_237 = vector.broadcast %parallel_loop3A_236 : i32 to vector<16xi32>
        %parallel_loop3A_238 = arith.andi %parallel_loop3A_231, %parallel_loop3A_237 : vector<16xi32>
        %parallel_loop3A_239 = vector.bitcast %parallel_loop3A_238 : vector<16xi32> to vector<16xf32>
        %parallel_loop3A_240 = arith.index_cast %parallel_loop3A_175 : i32 to index
        %parallel_loop3A_241 = arith.constant 16 : index
        %parallel_loop3A_242 = tpu.vector_load %arg13[%parallel_loop3A_240, %parallel_loop3A_241] {strides = array<i32>} : memref<40x64xf32, #tpu.memory_space<vmem>>, vector<16xf32>,
        %parallel_loop3A_243 = vector.bitcast %parallel_loop3A_242 : vector<16xf32> to vector<16xi32>
        %parallel_loop3A_244 = arith.constant 16 : i32
        %parallel_loop3A_245 = vector.broadcast %parallel_loop3A_244 : i32 to vector<16xi32>
        %parallel_loop3A_246 = arith.shli %parallel_loop3A_243, %parallel_loop3A_245 : vector<16xi32>
        %parallel_loop3A_247 = vector.bitcast %parallel_loop3A_246 : vector<16xi32> to vector<16xf32>
        %parallel_loop3A_248 = arith.constant -65536 : i32
        %parallel_loop3A_249 = vector.broadcast %parallel_loop3A_248 : i32 to vector<16xi32>
        %parallel_loop3A_250 = arith.andi %parallel_loop3A_243, %parallel_loop3A_249 : vector<16xi32>
        %parallel_loop3A_251 = vector.bitcast %parallel_loop3A_250 : vector<16xi32> to vector<16xf32>
        %parallel_loop3A_252 = arith.index_cast %parallel_loop3A_175 : i32 to index
        %parallel_loop3A_253 = arith.constant 16 : index
        %parallel_loop3A_254 = tpu.vector_load %arg14[%parallel_loop3A_252, %parallel_loop3A_253] {strides = array<i32>} : memref<40x64xf32, #tpu.memory_space<vmem>>, vector<16xf32>,
        %parallel_loop3A_255 = vector.bitcast %parallel_loop3A_254 : vector<16xf32> to vector<16xi32>
        %parallel_loop3A_256 = arith.constant 16 : i32
        %parallel_loop3A_257 = vector.broadcast %parallel_loop3A_256 : i32 to vector<16xi32>
        %parallel_loop3A_258 = arith.shli %parallel_loop3A_255, %parallel_loop3A_257 : vector<16xi32>
        %parallel_loop3A_259 = vector.bitcast %parallel_loop3A_258 : vector<16xi32> to vector<16xf32>
        %parallel_loop3A_260 = arith.constant -65536 : i32
        %parallel_loop3A_261 = vector.broadcast %parallel_loop3A_260 : i32 to vector<16xi32>
        %parallel_loop3A_262 = arith.andi %parallel_loop3A_255, %parallel_loop3A_261 : vector<16xi32>
        %parallel_loop3A_263 = vector.bitcast %parallel_loop3A_262 : vector<16xi32> to vector<16xf32>
        %parallel_loop3A_264 = arith.addf %parallel_loop3A_235, %parallel_loop3A_247 : vector<16xf32>
        %parallel_loop3A_265 = arith.addf %parallel_loop3A_264, %parallel_loop3A_259 : vector<16xf32>
        %parallel_loop3A_266 = arith.constant 0.000000e+00 : f32
        %parallel_loop3A_267 = vector.broadcast %parallel_loop3A_266 : f32 to vector<16xf32>
        %parallel_loop3A_268 = arith.maximumf %parallel_loop3A_265, %parallel_loop3A_267 : vector<16xf32>
        %parallel_loop3A_269 = arith.index_cast %parallel_loop3A_175 : i32 to index
        %parallel_loop3A_270 = arith.constant 16 : index
        %parallel_loop3A_271 = tpu.vector_load %arg18[%parallel_loop3A_269, %parallel_loop3A_270] {strides = array<i32>} : memref<40x128xf32, #tpu.memory_space<vmem>>, vector<16xf32>,
        tpu.vector_store %arg18[%parallel_loop3A_269, %parallel_loop3A_270], %parallel_loop3A_268 {strides = array<i32>} : memref<40x128xf32, #tpu.memory_space<vmem>>, vector<16xf32>,
        %parallel_loop3A_272 = arith.addf %parallel_loop3A_239, %parallel_loop3A_251 : vector<16xf32>
        %parallel_loop3A_273 = arith.addf %parallel_loop3A_272, %parallel_loop3A_263 : vector<16xf32>
        %parallel_loop3A_274 = arith.constant 0.000000e+00 : f32
        %parallel_loop3A_275 = vector.broadcast %parallel_loop3A_274 : f32 to vector<16xf32>
        %parallel_loop3A_276 = arith.maximumf %parallel_loop3A_273, %parallel_loop3A_275 : vector<16xf32>
        %parallel_loop3A_277 = arith.index_cast %parallel_loop3A_175 : i32 to index
        %parallel_loop3A_278 = arith.constant 80 : index
        %parallel_loop3A_279 = tpu.vector_load %arg18[%parallel_loop3A_277, %parallel_loop3A_278] {strides = array<i32>} : memref<40x128xf32, #tpu.memory_space<vmem>>, vector<16xf32>,
        tpu.vector_store %arg18[%parallel_loop3A_277, %parallel_loop3A_278], %parallel_loop3A_276 {strides = array<i32>} : memref<40x128xf32, #tpu.memory_space<vmem>>, vector<16xf32>,
        %parallel_loop3A_280 = arith.index_cast %parallel_loop3A_175 : i32 to index
        %parallel_loop3A_281 = arith.constant 32 : index
        %parallel_loop3A_282 = tpu.vector_load %arg12[%parallel_loop3A_280, %parallel_loop3A_281] {strides = array<i32>} : memref<40x64xf32, #tpu.memory_space<vmem>>, vector<16xf32>,
        %parallel_loop3A_283 = vector.bitcast %parallel_loop3A_282 : vector<16xf32> to vector<16xi32>
        %parallel_loop3A_284 = arith.constant 16 : i32
        %parallel_loop3A_285 = vector.broadcast %parallel_loop3A_284 : i32 to vector<16xi32>
        %parallel_loop3A_286 = arith.shli %parallel_loop3A_283, %parallel_loop3A_285 : vector<16xi32>
        %parallel_loop3A_287 = vector.bitcast %parallel_loop3A_286 : vector<16xi32> to vector<16xf32>
        %parallel_loop3A_288 = arith.constant -65536 : i32
        %parallel_loop3A_289 = vector.broadcast %parallel_loop3A_288 : i32 to vector<16xi32>
        %parallel_loop3A_290 = arith.andi %parallel_loop3A_283, %parallel_loop3A_289 : vector<16xi32>
        %parallel_loop3A_291 = vector.bitcast %parallel_loop3A_290 : vector<16xi32> to vector<16xf32>
        %parallel_loop3A_292 = arith.index_cast %parallel_loop3A_175 : i32 to index
        %parallel_loop3A_293 = arith.constant 32 : index
        %parallel_loop3A_294 = tpu.vector_load %arg13[%parallel_loop3A_292, %parallel_loop3A_293] {strides = array<i32>} : memref<40x64xf32, #tpu.memory_space<vmem>>, vector<16xf32>,
        %parallel_loop3A_295 = vector.bitcast %parallel_loop3A_294 : vector<16xf32> to vector<16xi32>
        %parallel_loop3A_296 = arith.constant 16 : i32
        %parallel_loop3A_297 = vector.broadcast %parallel_loop3A_296 : i32 to vector<16xi32>
        %parallel_loop3A_298 = arith.shli %parallel_loop3A_295, %parallel_loop3A_297 : vector<16xi32>
        %parallel_loop3A_299 = vector.bitcast %parallel_loop3A_298 : vector<16xi32> to vector<16xf32>
        %parallel_loop3A_300 = arith.constant -65536 : i32
        %parallel_loop3A_301 = vector.broadcast %parallel_loop3A_300 : i32 to vector<16xi32>
        %parallel_loop3A_302 = arith.andi %parallel_loop3A_295, %parallel_loop3A_301 : vector<16xi32>
        %parallel_loop3A_303 = vector.bitcast %parallel_loop3A_302 : vector<16xi32> to vector<16xf32>
        %parallel_loop3A_304 = arith.index_cast %parallel_loop3A_175 : i32 to index
        %parallel_loop3A_305 = arith.constant 32 : index
        %parallel_loop3A_306 = tpu.vector_load %arg14[%parallel_loop3A_304, %parallel_loop3A_305] {strides = array<i32>} : memref<40x64xf32, #tpu.memory_space<vmem>>, vector<16xf32>,
        %parallel_loop3A_307 = vector.bitcast %parallel_loop3A_306 : vector<16xf32> to vector<16xi32>
        %parallel_loop3A_308 = arith.constant 16 : i32
        %parallel_loop3A_309 = vector.broadcast %parallel_loop3A_308 : i32 to vector<16xi32>
        %parallel_loop3A_310 = arith.shli %parallel_loop3A_307, %parallel_loop3A_309 : vector<16xi32>
        %parallel_loop3A_311 = vector.bitcast %parallel_loop3A_310 : vector<16xi32> to vector<16xf32>
        %parallel_loop3A_312 = arith.constant -65536 : i32
        %parallel_loop3A_313 = vector.broadcast %parallel_loop3A_312 : i32 to vector<16xi32>
        %parallel_loop3A_314 = arith.andi %parallel_loop3A_307, %parallel_loop3A_313 : vector<16xi32>
        %parallel_loop3A_315 = vector.bitcast %parallel_loop3A_314 : vector<16xi32> to vector<16xf32>
        %parallel_loop3A_316 = arith.addf %parallel_loop3A_287, %parallel_loop3A_299 : vector<16xf32>
        %parallel_loop3A_317 = arith.addf %parallel_loop3A_316, %parallel_loop3A_311 : vector<16xf32>
        %parallel_loop3A_318 = arith.constant 0.000000e+00 : f32
        %parallel_loop3A_319 = vector.broadcast %parallel_loop3A_318 : f32 to vector<16xf32>
        %parallel_loop3A_320 = arith.maximumf %parallel_loop3A_317, %parallel_loop3A_319 : vector<16xf32>
        %parallel_loop3A_321 = arith.index_cast %parallel_loop3A_175 : i32 to index
        %parallel_loop3A_322 = arith.constant 32 : index
        %parallel_loop3A_323 = tpu.vector_load %arg18[%parallel_loop3A_321, %parallel_loop3A_322] {strides = array<i32>} : memref<40x128xf32, #tpu.memory_space<vmem>>, vector<16xf32>,
        tpu.vector_store %arg18[%parallel_loop3A_321, %parallel_loop3A_322], %parallel_loop3A_320 {strides = array<i32>} : memref<40x128xf32, #tpu.memory_space<vmem>>, vector<16xf32>,
        %parallel_loop3A_324 = arith.addf %parallel_loop3A_291, %parallel_loop3A_303 : vector<16xf32>
        %parallel_loop3A_325 = arith.addf %parallel_loop3A_324, %parallel_loop3A_315 : vector<16xf32>
        %parallel_loop3A_326 = arith.constant 0.000000e+00 : f32
        %parallel_loop3A_327 = vector.broadcast %parallel_loop3A_326 : f32 to vector<16xf32>
        %parallel_loop3A_328 = arith.maximumf %parallel_loop3A_325, %parallel_loop3A_327 : vector<16xf32>
        %parallel_loop3A_329 = arith.index_cast %parallel_loop3A_175 : i32 to index
        %parallel_loop3A_330 = arith.constant 96 : index
        %parallel_loop3A_331 = tpu.vector_load %arg18[%parallel_loop3A_329, %parallel_loop3A_330] {strides = array<i32>} : memref<40x128xf32, #tpu.memory_space<vmem>>, vector<16xf32>,
        tpu.vector_store %arg18[%parallel_loop3A_329, %parallel_loop3A_330], %parallel_loop3A_328 {strides = array<i32>} : memref<40x128xf32, #tpu.memory_space<vmem>>, vector<16xf32>,
        %parallel_loop3A_332 = arith.index_cast %parallel_loop3A_175 : i32 to index
        %parallel_loop3A_333 = arith.constant 48 : index
        %parallel_loop3A_334 = tpu.vector_load %arg12[%parallel_loop3A_332, %parallel_loop3A_333] {strides = array<i32>} : memref<40x64xf32, #tpu.memory_space<vmem>>, vector<16xf32>,
        %parallel_loop3A_335 = vector.bitcast %parallel_loop3A_334 : vector<16xf32> to vector<16xi32>
        %parallel_loop3A_336 = arith.constant 16 : i32
        %parallel_loop3A_337 = vector.broadcast %parallel_loop3A_336 : i32 to vector<16xi32>
        %parallel_loop3A_338 = arith.shli %parallel_loop3A_335, %parallel_loop3A_337 : vector<16xi32>
        %parallel_loop3A_339 = vector.bitcast %parallel_loop3A_338 : vector<16xi32> to vector<16xf32>
        %parallel_loop3A_340 = arith.constant -65536 : i32
        %parallel_loop3A_341 = vector.broadcast %parallel_loop3A_340 : i32 to vector<16xi32>
        %parallel_loop3A_342 = arith.andi %parallel_loop3A_335, %parallel_loop3A_341 : vector<16xi32>
        %parallel_loop3A_343 = vector.bitcast %parallel_loop3A_342 : vector<16xi32> to vector<16xf32>
        %parallel_loop3A_344 = arith.index_cast %parallel_loop3A_175 : i32 to index
        %parallel_loop3A_345 = arith.constant 48 : index
        %parallel_loop3A_346 = tpu.vector_load %arg13[%parallel_loop3A_344, %parallel_loop3A_345] {strides = array<i32>} : memref<40x64xf32, #tpu.memory_space<vmem>>, vector<16xf32>,
        %parallel_loop3A_347 = vector.bitcast %parallel_loop3A_346 : vector<16xf32> to vector<16xi32>
        %parallel_loop3A_348 = arith.constant 16 : i32
        %parallel_loop3A_349 = vector.broadcast %parallel_loop3A_348 : i32 to vector<16xi32>
        %parallel_loop3A_350 = arith.shli %parallel_loop3A_347, %parallel_loop3A_349 : vector<16xi32>
        %parallel_loop3A_351 = vector.bitcast %parallel_loop3A_350 : vector<16xi32> to vector<16xf32>
        %parallel_loop3A_352 = arith.constant -65536 : i32
        %parallel_loop3A_353 = vector.broadcast %parallel_loop3A_352 : i32 to vector<16xi32>
        %parallel_loop3A_354 = arith.andi %parallel_loop3A_347, %parallel_loop3A_353 : vector<16xi32>
        %parallel_loop3A_355 = vector.bitcast %parallel_loop3A_354 : vector<16xi32> to vector<16xf32>
        %parallel_loop3A_356 = arith.index_cast %parallel_loop3A_175 : i32 to index
        %parallel_loop3A_357 = arith.constant 48 : index
        %parallel_loop3A_358 = tpu.vector_load %arg14[%parallel_loop3A_356, %parallel_loop3A_357] {strides = array<i32>} : memref<40x64xf32, #tpu.memory_space<vmem>>, vector<16xf32>,
        %parallel_loop3A_359 = vector.bitcast %parallel_loop3A_358 : vector<16xf32> to vector<16xi32>
        %parallel_loop3A_360 = arith.constant 16 : i32
        %parallel_loop3A_361 = vector.broadcast %parallel_loop3A_360 : i32 to vector<16xi32>
        %parallel_loop3A_362 = arith.shli %parallel_loop3A_359, %parallel_loop3A_361 : vector<16xi32>
        %parallel_loop3A_363 = vector.bitcast %parallel_loop3A_362 : vector<16xi32> to vector<16xf32>
        %parallel_loop3A_364 = arith.constant -65536 : i32
        %parallel_loop3A_365 = vector.broadcast %parallel_loop3A_364 : i32 to vector<16xi32>
        %parallel_loop3A_366 = arith.andi %parallel_loop3A_359, %parallel_loop3A_365 : vector<16xi32>
        %parallel_loop3A_367 = vector.bitcast %parallel_loop3A_366 : vector<16xi32> to vector<16xf32>
        %parallel_loop3A_368 = arith.addf %parallel_loop3A_339, %parallel_loop3A_351 : vector<16xf32>
        %parallel_loop3A_369 = arith.addf %parallel_loop3A_368, %parallel_loop3A_363 : vector<16xf32>
        %parallel_loop3A_370 = arith.constant 0.000000e+00 : f32
        %parallel_loop3A_371 = vector.broadcast %parallel_loop3A_370 : f32 to vector<16xf32>
        %parallel_loop3A_372 = arith.maximumf %parallel_loop3A_369, %parallel_loop3A_371 : vector<16xf32>
        %parallel_loop3A_373 = arith.index_cast %parallel_loop3A_175 : i32 to index
        %parallel_loop3A_374 = arith.constant 48 : index
        %parallel_loop3A_375 = tpu.vector_load %arg18[%parallel_loop3A_373, %parallel_loop3A_374] {strides = array<i32>} : memref<40x128xf32, #tpu.memory_space<vmem>>, vector<16xf32>,
        tpu.vector_store %arg18[%parallel_loop3A_373, %parallel_loop3A_374], %parallel_loop3A_372 {strides = array<i32>} : memref<40x128xf32, #tpu.memory_space<vmem>>, vector<16xf32>,
        %parallel_loop3A_376 = arith.addf %parallel_loop3A_343, %parallel_loop3A_355 : vector<16xf32>
        %parallel_loop3A_377 = arith.addf %parallel_loop3A_376, %parallel_loop3A_367 : vector<16xf32>
        %parallel_loop3A_378 = arith.constant 0.000000e+00 : f32
        %parallel_loop3A_379 = vector.broadcast %parallel_loop3A_378 : f32 to vector<16xf32>
        %parallel_loop3A_380 = arith.maximumf %parallel_loop3A_377, %parallel_loop3A_379 : vector<16xf32>
        %parallel_loop3A_381 = arith.index_cast %parallel_loop3A_175 : i32 to index
        %parallel_loop3A_382 = arith.constant 112 : index
        %parallel_loop3A_383 = tpu.vector_load %arg18[%parallel_loop3A_381, %parallel_loop3A_382] {strides = array<i32>} : memref<40x128xf32, #tpu.memory_space<vmem>>, vector<16xf32>,
        tpu.vector_store %arg18[%parallel_loop3A_381, %parallel_loop3A_382], %parallel_loop3A_380 {strides = array<i32>} : memref<40x128xf32, #tpu.memory_space<vmem>>, vector<16xf32>,
      } {sc.loop_unroll_factor = 2 : i64, sc.parallel_access}
      %add3A_110 = arith.constant 2 : i32
      %add3A_111 = arith.addi %mul3A_47, %add3A_110 : i32
      %lt3A = arith.constant 250 : i32
      %lt3A_112 = arith.cmpi slt, %add3A_111, %lt3A : i32
      %convert_element_type3A_113 = arith.extui %lt3A_112 : i1 to i32
      %cond3A_114 = arith.constant 0 : i32
      %cond3A_115 = arith.cmpi ne, %convert_element_type3A_113, %cond3A_114 : i32
      scf.if %cond3A_115 {
        %add3A_175 = arith.constant 2 : i32
        %add3A_176 = arith.addi %mul3A_47, %add3A_175 : i32
        %rem3A_177 = arith.constant 16 : i32
        %rem3A_178 = arith.remsi %add3A_176, %rem3A_177 : i32
        %mul3A_179 = arith.constant 40 : i32
        %mul3A_180 = arith.muli %rem3A_178, %mul3A_179 : i32
        %multiple_of3A_181 = tpu.assume_multiple %mul3A_180, 8 : i32
        %dma_start3A_182 = tpu.memref_slice %arg10[%multiple_of3A_181] : memref<640xi32, #tpu.memory_space<vmem>> -> memref<40xi32, #tpu.memory_space<vmem>>
        %dma_start3A_183 = arith.constant 0 : i32
        %dma_start3A_184 = arith.constant 0 : i32
        %dma_start3A_185 = tpu.memref_slice %arg2[%dma_start3A_183, %dma_start3A_184] : memref<10000x64xf32, #tpu.memory_space<hbm>> -> memref<10000x64xf32, #tpu.memory_space<hbm>>
        tpu.enqueue_indirect_dma source(%dma_start3A_185 : memref<10000x64xf32, #tpu.memory_space<hbm>>) target(%arg12 : memref<40x64xf32, #tpu.memory_space<vmem>>) offsets(%dma_start3A_182 : memref<40xi32, #tpu.memory_space<vmem>>) semaphore(%arg20 : memref<!tpu.dma_semaphore, #tpu.memory_space<semaphore_mem>>)
        %rem3A_186 = arith.constant 16 : i32
        %rem3A_187 = arith.remsi %add3A_176, %rem3A_186 : i32
        %mul3A_188 = arith.constant 40 : i32
        %mul3A_189 = arith.muli %rem3A_187, %mul3A_188 : i32
        %multiple_of3A_190 = tpu.assume_multiple %mul3A_189, 8 : i32
        %dma_start3A_191 = tpu.memref_slice %arg11[%multiple_of3A_190] : memref<640xi32, #tpu.memory_space<vmem>> -> memref<40xi32, #tpu.memory_space<vmem>>
        %dma_start3A_192 = arith.constant 0 : i32
        %dma_start3A_193 = arith.constant 0 : i32
        %dma_start3A_194 = tpu.memref_slice %arg3[%dma_start3A_192, %dma_start3A_193] : memref<10000x64xf32, #tpu.memory_space<hbm>> -> memref<10000x64xf32, #tpu.memory_space<hbm>>
        tpu.enqueue_indirect_dma source(%dma_start3A_194 : memref<10000x64xf32, #tpu.memory_space<hbm>>) target(%arg13 : memref<40x64xf32, #tpu.memory_space<vmem>>) offsets(%dma_start3A_191 : memref<40xi32, #tpu.memory_space<vmem>>) semaphore(%arg21 : memref<!tpu.dma_semaphore, #tpu.memory_space<semaphore_mem>>)
        %mul3A_195 = arith.constant 40 : i32
        %mul3A_196 = arith.muli %add3A_176, %mul3A_195 : i32
        %add3A_197 = arith.addi %mul3A_6, %mul3A_196 : i32
        %multiple_of3A_198 = tpu.assume_multiple %add3A_197, 8 : i32
        %dma_start3A_199 = arith.constant 0 : i32
        %dma_start3A_200 = tpu.memref_slice %arg4[%multiple_of3A_198, %dma_start3A_199] : memref<320000x128xf32, #tpu.memory_space<hbm>> -> memref<40x64xf32, #tpu.memory_space<hbm>>
        %dma_start3A_201 = arith.constant 0 : i32
        %dma_start3A_202 = tpu.memref_slice %arg4[%multiple_of3A_198, %dma_start3A_201] : memref<320000x128xf32, #tpu.memory_space<hbm>> -> memref<40x64xf32, #tpu.memory_space<hbm>>
        tpu.enqueue_dma source(%dma_start3A_202 : memref<40x64xf32, #tpu.memory_space<hbm>>) target(%arg14 : memref<40x64xf32, #tpu.memory_space<vmem>>) target_semaphore(%arg22 : memref<!tpu.dma_semaphore, #tpu.memory_space<semaphore_mem>>)
      } else {
      }
      %rem3A_116 = arith.constant 16 : i32
      %rem3A_117 = arith.remsi %mul3A_47, %rem3A_116 : i32
      %mul3A_118 = arith.constant 40 : i32
      %mul3A_119 = arith.muli %rem3A_117, %mul3A_118 : i32
      %multiple_of3A_120 = tpu.assume_multiple %mul3A_119, 8 : i32
      %dma_start3A_121 = tpu.memref_slice %arg11[%multiple_of3A_120] : memref<640xi32, #tpu.memory_space<vmem>> -> memref<40xi32, #tpu.memory_space<vmem>>
      %dma_start3A_122 = arith.constant 0 : i32
      %dma_start3A_123 = arith.constant 0 : i32
      %dma_start3A_124 = tpu.memref_slice %arg9[%dma_start3A_122, %dma_start3A_123] : memref<10000x128xf32, #tpu.memory_space<vmem_shared>> -> memref<10000x128xf32, #tpu.memory_space<vmem_shared>>
      tpu.enqueue_indirect_dma source(%arg18 : memref<40x128xf32, #tpu.memory_space<vmem>>) target(%dma_start3A_124 : memref<10000x128xf32, #tpu.memory_space<vmem_shared>>) offsets(%dma_start3A_121 : memref<40xi32, #tpu.memory_space<vmem>>) semaphore(%arg26 : memref<!tpu.dma_semaphore, #tpu.memory_space<semaphore_mem>>) {add = true}
      %add3A_125 = arith.constant 1 : i32
      %add3A_126 = arith.addi %mul3A_47, %add3A_125 : i32
      %rem3A_127 = arith.constant 16 : i32
      %rem3A_128 = arith.remsi %add3A_126, %rem3A_127 : i32
      %mul3A_129 = arith.constant 40 : i32
      %mul3A_130 = arith.muli %rem3A_128, %mul3A_129 : i32
      %multiple_of3A_131 = tpu.assume_multiple %mul3A_130, 8 : i32
      %dma_wait3A_132 = tpu.memref_slice %arg10[%multiple_of3A_131] : memref<640xi32, #tpu.memory_space<vmem>> -> memref<40xi32, #tpu.memory_space<vmem>>
      %dma_wait3A_133 = arith.constant 0 : i32
      %dma_wait3A_134 = arith.constant 0 : i32
      %dma_wait3A_135 = tpu.memref_slice %arg2[%dma_wait3A_133, %dma_wait3A_134] : memref<10000x64xf32, #tpu.memory_space<hbm>> -> memref<10000x64xf32, #tpu.memory_space<hbm>>
      tpu.wait_indirect_dma semaphore(%arg23 : memref<!tpu.dma_semaphore, #tpu.memory_space<semaphore_mem>>) src(%dma_wait3A_135 : memref<10000x64xf32, #tpu.memory_space<hbm>>) dst(%arg15 : memref<40x64xf32, #tpu.memory_space<vmem>>)
      %rem3A_136 = arith.constant 16 : i32
      %rem3A_137 = arith.remsi %add3A_126, %rem3A_136 : i32
      %mul3A_138 = arith.constant 40 : i32
      %mul3A_139 = arith.muli %rem3A_137, %mul3A_138 : i32
      %multiple_of3A_140 = tpu.assume_multiple %mul3A_139, 8 : i32
      %dma_wait3A_141 = tpu.memref_slice %arg11[%multiple_of3A_140] : memref<640xi32, #tpu.memory_space<vmem>> -> memref<40xi32, #tpu.memory_space<vmem>>
      %dma_wait3A_142 = arith.constant 0 : i32
      %dma_wait3A_143 = arith.constant 0 : i32
      %dma_wait3A_144 = tpu.memref_slice %arg3[%dma_wait3A_142, %dma_wait3A_143] : memref<10000x64xf32, #tpu.memory_space<hbm>> -> memref<10000x64xf32, #tpu.memory_space<hbm>>
      tpu.wait_indirect_dma semaphore(%arg24 : memref<!tpu.dma_semaphore, #tpu.memory_space<semaphore_mem>>) src(%dma_wait3A_144 : memref<10000x64xf32, #tpu.memory_space<hbm>>) dst(%arg16 : memref<40x64xf32, #tpu.memory_space<vmem>>)
      %mul3A_145 = arith.constant 40 : i32
      %mul3A_146 = arith.muli %add3A_126, %mul3A_145 : i32
      %add3A_147 = arith.addi %mul3A_6, %mul3A_146 : i32
      %multiple_of3A_148 = tpu.assume_multiple %add3A_147, 8 : i32
      %dma_wait3A_149 = arith.constant 0 : i32
      %dma_wait3A_150 = tpu.memref_slice %arg4[%multiple_of3A_148, %dma_wait3A_149] : memref<320000x128xf32, #tpu.memory_space<hbm>> -> memref<40x64xf32, #tpu.memory_space<hbm>>
      %dma_wait3A_151 = arith.constant 0 : i32
      %dma_wait3A_152 = tpu.memref_slice %arg4[%multiple_of3A_148, %dma_wait3A_151] : memref<320000x128xf32, #tpu.memory_space<hbm>> -> memref<40x64xf32, #tpu.memory_space<hbm>>
      tpu.wait_dma2 semaphore(%arg25 : memref<!tpu.dma_semaphore, #tpu.memory_space<semaphore_mem>>) src(%dma_wait3A_152 : memref<40x64xf32, #tpu.memory_space<hbm>>) dst(%arg17 : memref<40x64xf32, #tpu.memory_space<vmem>>)
      %dma_wait3A_153 = tpu.memref_slice %arg11[%multiple_of3A_120] : memref<640xi32, #tpu.memory_space<vmem>> -> memref<40xi32, #tpu.memory_space<vmem>>
      %dma_wait3A_154 = arith.constant 0 : i32
      %dma_wait3A_155 = arith.constant 0 : i32
      %dma_wait3A_156 = tpu.memref_slice %arg9[%dma_wait3A_154, %dma_wait3A_155] : memref<10000x128xf32, #tpu.memory_space<vmem_shared>> -> memref<10000x128xf32, #tpu.memory_space<vmem_shared>>
      tpu.wait_indirect_dma semaphore(%arg26 : memref<!tpu.dma_semaphore, #tpu.memory_space<semaphore_mem>>) src(%arg18 : memref<40x128xf32, #tpu.memory_space<vmem>>) dst(%dma_wait3A_156 : memref<10000x128xf32, #tpu.memory_space<vmem_shared>>)
      %parallel_loop3A_157 = arith.constant 0 : i32
      %parallel_loop3A_158 = arith.constant 40 : i32
      %parallel_loop3A_159 = arith.constant 1 : i32
      scf.for %parallel_loop3A_175 = %parallel_loop3A_157 to %parallel_loop3A_158 step %parallel_loop3A_159  : i32 {
        %parallel_loop3A_176 = arith.index_cast %parallel_loop3A_175 : i32 to index
        %parallel_loop3A_177 = arith.constant 0 : index
        %parallel_loop3A_178 = tpu.vector_load %arg15[%parallel_loop3A_176, %parallel_loop3A_177] {strides = array<i32>} : memref<40x64xf32, #tpu.memory_space<vmem>>, vector<16xf32>,
        %parallel_loop3A_179 = vector.bitcast %parallel_loop3A_178 : vector<16xf32> to vector<16xi32>
        %parallel_loop3A_180 = arith.constant 16 : i32
        %parallel_loop3A_181 = vector.broadcast %parallel_loop3A_180 : i32 to vector<16xi32>
        %parallel_loop3A_182 = arith.shli %parallel_loop3A_179, %parallel_loop3A_181 : vector<16xi32>
        %parallel_loop3A_183 = vector.bitcast %parallel_loop3A_182 : vector<16xi32> to vector<16xf32>
        %parallel_loop3A_184 = arith.constant -65536 : i32
        %parallel_loop3A_185 = vector.broadcast %parallel_loop3A_184 : i32 to vector<16xi32>
        %parallel_loop3A_186 = arith.andi %parallel_loop3A_179, %parallel_loop3A_185 : vector<16xi32>
        %parallel_loop3A_187 = vector.bitcast %parallel_loop3A_186 : vector<16xi32> to vector<16xf32>
        %parallel_loop3A_188 = arith.index_cast %parallel_loop3A_175 : i32 to index
        %parallel_loop3A_189 = arith.constant 0 : index
        %parallel_loop3A_190 = tpu.vector_load %arg16[%parallel_loop3A_188, %parallel_loop3A_189] {strides = array<i32>} : memref<40x64xf32, #tpu.memory_space<vmem>>, vector<16xf32>,
        %parallel_loop3A_191 = vector.bitcast %parallel_loop3A_190 : vector<16xf32> to vector<16xi32>
        %parallel_loop3A_192 = arith.constant 16 : i32
        %parallel_loop3A_193 = vector.broadcast %parallel_loop3A_192 : i32 to vector<16xi32>
        %parallel_loop3A_194 = arith.shli %parallel_loop3A_191, %parallel_loop3A_193 : vector<16xi32>
        %parallel_loop3A_195 = vector.bitcast %parallel_loop3A_194 : vector<16xi32> to vector<16xf32>
        %parallel_loop3A_196 = arith.constant -65536 : i32
        %parallel_loop3A_197 = vector.broadcast %parallel_loop3A_196 : i32 to vector<16xi32>
        %parallel_loop3A_198 = arith.andi %parallel_loop3A_191, %parallel_loop3A_197 : vector<16xi32>
        %parallel_loop3A_199 = vector.bitcast %parallel_loop3A_198 : vector<16xi32> to vector<16xf32>
        %parallel_loop3A_200 = arith.index_cast %parallel_loop3A_175 : i32 to index
        %parallel_loop3A_201 = arith.constant 0 : index
        %parallel_loop3A_202 = tpu.vector_load %arg17[%parallel_loop3A_200, %parallel_loop3A_201] {strides = array<i32>} : memref<40x64xf32, #tpu.memory_space<vmem>>, vector<16xf32>,
        %parallel_loop3A_203 = vector.bitcast %parallel_loop3A_202 : vector<16xf32> to vector<16xi32>
        %parallel_loop3A_204 = arith.constant 16 : i32
        %parallel_loop3A_205 = vector.broadcast %parallel_loop3A_204 : i32 to vector<16xi32>
        %parallel_loop3A_206 = arith.shli %parallel_loop3A_203, %parallel_loop3A_205 : vector<16xi32>
        %parallel_loop3A_207 = vector.bitcast %parallel_loop3A_206 : vector<16xi32> to vector<16xf32>
        %parallel_loop3A_208 = arith.constant -65536 : i32
        %parallel_loop3A_209 = vector.broadcast %parallel_loop3A_208 : i32 to vector<16xi32>
        %parallel_loop3A_210 = arith.andi %parallel_loop3A_203, %parallel_loop3A_209 : vector<16xi32>
        %parallel_loop3A_211 = vector.bitcast %parallel_loop3A_210 : vector<16xi32> to vector<16xf32>
        %parallel_loop3A_212 = arith.addf %parallel_loop3A_183, %parallel_loop3A_195 : vector<16xf32>
        %parallel_loop3A_213 = arith.addf %parallel_loop3A_212, %parallel_loop3A_207 : vector<16xf32>
        %parallel_loop3A_214 = arith.constant 0.000000e+00 : f32
        %parallel_loop3A_215 = vector.broadcast %parallel_loop3A_214 : f32 to vector<16xf32>
        %parallel_loop3A_216 = arith.maximumf %parallel_loop3A_213, %parallel_loop3A_215 : vector<16xf32>
        %parallel_loop3A_217 = arith.index_cast %parallel_loop3A_175 : i32 to index
        %parallel_loop3A_218 = arith.constant 0 : index
        %parallel_loop3A_219 = tpu.vector_load %arg19[%parallel_loop3A_217, %parallel_loop3A_218] {strides = array<i32>} : memref<40x128xf32, #tpu.memory_space<vmem>>, vector<16xf32>,
        tpu.vector_store %arg19[%parallel_loop3A_217, %parallel_loop3A_218], %parallel_loop3A_216 {strides = array<i32>} : memref<40x128xf32, #tpu.memory_space<vmem>>, vector<16xf32>,
        %parallel_loop3A_220 = arith.addf %parallel_loop3A_187, %parallel_loop3A_199 : vector<16xf32>
        %parallel_loop3A_221 = arith.addf %parallel_loop3A_220, %parallel_loop3A_211 : vector<16xf32>
        %parallel_loop3A_222 = arith.constant 0.000000e+00 : f32
        %parallel_loop3A_223 = vector.broadcast %parallel_loop3A_222 : f32 to vector<16xf32>
        %parallel_loop3A_224 = arith.maximumf %parallel_loop3A_221, %parallel_loop3A_223 : vector<16xf32>
        %parallel_loop3A_225 = arith.index_cast %parallel_loop3A_175 : i32 to index
        %parallel_loop3A_226 = arith.constant 64 : index
        %parallel_loop3A_227 = tpu.vector_load %arg19[%parallel_loop3A_225, %parallel_loop3A_226] {strides = array<i32>} : memref<40x128xf32, #tpu.memory_space<vmem>>, vector<16xf32>,
        tpu.vector_store %arg19[%parallel_loop3A_225, %parallel_loop3A_226], %parallel_loop3A_224 {strides = array<i32>} : memref<40x128xf32, #tpu.memory_space<vmem>>, vector<16xf32>,
        %parallel_loop3A_228 = arith.index_cast %parallel_loop3A_175 : i32 to index
        %parallel_loop3A_229 = arith.constant 16 : index
        %parallel_loop3A_230 = tpu.vector_load %arg15[%parallel_loop3A_228, %parallel_loop3A_229] {strides = array<i32>} : memref<40x64xf32, #tpu.memory_space<vmem>>, vector<16xf32>,
        %parallel_loop3A_231 = vector.bitcast %parallel_loop3A_230 : vector<16xf32> to vector<16xi32>
        %parallel_loop3A_232 = arith.constant 16 : i32
        %parallel_loop3A_233 = vector.broadcast %parallel_loop3A_232 : i32 to vector<16xi32>
        %parallel_loop3A_234 = arith.shli %parallel_loop3A_231, %parallel_loop3A_233 : vector<16xi32>
        %parallel_loop3A_235 = vector.bitcast %parallel_loop3A_234 : vector<16xi32> to vector<16xf32>
        %parallel_loop3A_236 = arith.constant -65536 : i32
        %parallel_loop3A_237 = vector.broadcast %parallel_loop3A_236 : i32 to vector<16xi32>
        %parallel_loop3A_238 = arith.andi %parallel_loop3A_231, %parallel_loop3A_237 : vector<16xi32>
        %parallel_loop3A_239 = vector.bitcast %parallel_loop3A_238 : vector<16xi32> to vector<16xf32>
        %parallel_loop3A_240 = arith.index_cast %parallel_loop3A_175 : i32 to index
        %parallel_loop3A_241 = arith.constant 16 : index
        %parallel_loop3A_242 = tpu.vector_load %arg16[%parallel_loop3A_240, %parallel_loop3A_241] {strides = array<i32>} : memref<40x64xf32, #tpu.memory_space<vmem>>, vector<16xf32>,
        %parallel_loop3A_243 = vector.bitcast %parallel_loop3A_242 : vector<16xf32> to vector<16xi32>
        %parallel_loop3A_244 = arith.constant 16 : i32
        %parallel_loop3A_245 = vector.broadcast %parallel_loop3A_244 : i32 to vector<16xi32>
        %parallel_loop3A_246 = arith.shli %parallel_loop3A_243, %parallel_loop3A_245 : vector<16xi32>
        %parallel_loop3A_247 = vector.bitcast %parallel_loop3A_246 : vector<16xi32> to vector<16xf32>
        %parallel_loop3A_248 = arith.constant -65536 : i32
        %parallel_loop3A_249 = vector.broadcast %parallel_loop3A_248 : i32 to vector<16xi32>
        %parallel_loop3A_250 = arith.andi %parallel_loop3A_243, %parallel_loop3A_249 : vector<16xi32>
        %parallel_loop3A_251 = vector.bitcast %parallel_loop3A_250 : vector<16xi32> to vector<16xf32>
        %parallel_loop3A_252 = arith.index_cast %parallel_loop3A_175 : i32 to index
        %parallel_loop3A_253 = arith.constant 16 : index
        %parallel_loop3A_254 = tpu.vector_load %arg17[%parallel_loop3A_252, %parallel_loop3A_253] {strides = array<i32>} : memref<40x64xf32, #tpu.memory_space<vmem>>, vector<16xf32>,
        %parallel_loop3A_255 = vector.bitcast %parallel_loop3A_254 : vector<16xf32> to vector<16xi32>
        %parallel_loop3A_256 = arith.constant 16 : i32
        %parallel_loop3A_257 = vector.broadcast %parallel_loop3A_256 : i32 to vector<16xi32>
        %parallel_loop3A_258 = arith.shli %parallel_loop3A_255, %parallel_loop3A_257 : vector<16xi32>
        %parallel_loop3A_259 = vector.bitcast %parallel_loop3A_258 : vector<16xi32> to vector<16xf32>
        %parallel_loop3A_260 = arith.constant -65536 : i32
        %parallel_loop3A_261 = vector.broadcast %parallel_loop3A_260 : i32 to vector<16xi32>
        %parallel_loop3A_262 = arith.andi %parallel_loop3A_255, %parallel_loop3A_261 : vector<16xi32>
        %parallel_loop3A_263 = vector.bitcast %parallel_loop3A_262 : vector<16xi32> to vector<16xf32>
        %parallel_loop3A_264 = arith.addf %parallel_loop3A_235, %parallel_loop3A_247 : vector<16xf32>
        %parallel_loop3A_265 = arith.addf %parallel_loop3A_264, %parallel_loop3A_259 : vector<16xf32>
        %parallel_loop3A_266 = arith.constant 0.000000e+00 : f32
        %parallel_loop3A_267 = vector.broadcast %parallel_loop3A_266 : f32 to vector<16xf32>
        %parallel_loop3A_268 = arith.maximumf %parallel_loop3A_265, %parallel_loop3A_267 : vector<16xf32>
        %parallel_loop3A_269 = arith.index_cast %parallel_loop3A_175 : i32 to index
        %parallel_loop3A_270 = arith.constant 16 : index
        %parallel_loop3A_271 = tpu.vector_load %arg19[%parallel_loop3A_269, %parallel_loop3A_270] {strides = array<i32>} : memref<40x128xf32, #tpu.memory_space<vmem>>, vector<16xf32>,
        tpu.vector_store %arg19[%parallel_loop3A_269, %parallel_loop3A_270], %parallel_loop3A_268 {strides = array<i32>} : memref<40x128xf32, #tpu.memory_space<vmem>>, vector<16xf32>,
        %parallel_loop3A_272 = arith.addf %parallel_loop3A_239, %parallel_loop3A_251 : vector<16xf32>
        %parallel_loop3A_273 = arith.addf %parallel_loop3A_272, %parallel_loop3A_263 : vector<16xf32>
        %parallel_loop3A_274 = arith.constant 0.000000e+00 : f32
        %parallel_loop3A_275 = vector.broadcast %parallel_loop3A_274 : f32 to vector<16xf32>
        %parallel_loop3A_276 = arith.maximumf %parallel_loop3A_273, %parallel_loop3A_275 : vector<16xf32>
        %parallel_loop3A_277 = arith.index_cast %parallel_loop3A_175 : i32 to index
        %parallel_loop3A_278 = arith.constant 80 : index
        %parallel_loop3A_279 = tpu.vector_load %arg19[%parallel_loop3A_277, %parallel_loop3A_278] {strides = array<i32>} : memref<40x128xf32, #tpu.memory_space<vmem>>, vector<16xf32>,
        tpu.vector_store %arg19[%parallel_loop3A_277, %parallel_loop3A_278], %parallel_loop3A_276 {strides = array<i32>} : memref<40x128xf32, #tpu.memory_space<vmem>>, vector<16xf32>,
        %parallel_loop3A_280 = arith.index_cast %parallel_loop3A_175 : i32 to index
        %parallel_loop3A_281 = arith.constant 32 : index
        %parallel_loop3A_282 = tpu.vector_load %arg15[%parallel_loop3A_280, %parallel_loop3A_281] {strides = array<i32>} : memref<40x64xf32, #tpu.memory_space<vmem>>, vector<16xf32>,
        %parallel_loop3A_283 = vector.bitcast %parallel_loop3A_282 : vector<16xf32> to vector<16xi32>
        %parallel_loop3A_284 = arith.constant 16 : i32
        %parallel_loop3A_285 = vector.broadcast %parallel_loop3A_284 : i32 to vector<16xi32>
        %parallel_loop3A_286 = arith.shli %parallel_loop3A_283, %parallel_loop3A_285 : vector<16xi32>
        %parallel_loop3A_287 = vector.bitcast %parallel_loop3A_286 : vector<16xi32> to vector<16xf32>
        %parallel_loop3A_288 = arith.constant -65536 : i32
        %parallel_loop3A_289 = vector.broadcast %parallel_loop3A_288 : i32 to vector<16xi32>
        %parallel_loop3A_290 = arith.andi %parallel_loop3A_283, %parallel_loop3A_289 : vector<16xi32>
        %parallel_loop3A_291 = vector.bitcast %parallel_loop3A_290 : vector<16xi32> to vector<16xf32>
        %parallel_loop3A_292 = arith.index_cast %parallel_loop3A_175 : i32 to index
        %parallel_loop3A_293 = arith.constant 32 : index
        %parallel_loop3A_294 = tpu.vector_load %arg16[%parallel_loop3A_292, %parallel_loop3A_293] {strides = array<i32>} : memref<40x64xf32, #tpu.memory_space<vmem>>, vector<16xf32>,
        %parallel_loop3A_295 = vector.bitcast %parallel_loop3A_294 : vector<16xf32> to vector<16xi32>
        %parallel_loop3A_296 = arith.constant 16 : i32
        %parallel_loop3A_297 = vector.broadcast %parallel_loop3A_296 : i32 to vector<16xi32>
        %parallel_loop3A_298 = arith.shli %parallel_loop3A_295, %parallel_loop3A_297 : vector<16xi32>
        %parallel_loop3A_299 = vector.bitcast %parallel_loop3A_298 : vector<16xi32> to vector<16xf32>
        %parallel_loop3A_300 = arith.constant -65536 : i32
        %parallel_loop3A_301 = vector.broadcast %parallel_loop3A_300 : i32 to vector<16xi32>
        %parallel_loop3A_302 = arith.andi %parallel_loop3A_295, %parallel_loop3A_301 : vector<16xi32>
        %parallel_loop3A_303 = vector.bitcast %parallel_loop3A_302 : vector<16xi32> to vector<16xf32>
        %parallel_loop3A_304 = arith.index_cast %parallel_loop3A_175 : i32 to index
        %parallel_loop3A_305 = arith.constant 32 : index
        %parallel_loop3A_306 = tpu.vector_load %arg17[%parallel_loop3A_304, %parallel_loop3A_305] {strides = array<i32>} : memref<40x64xf32, #tpu.memory_space<vmem>>, vector<16xf32>,
        %parallel_loop3A_307 = vector.bitcast %parallel_loop3A_306 : vector<16xf32> to vector<16xi32>
        %parallel_loop3A_308 = arith.constant 16 : i32
        %parallel_loop3A_309 = vector.broadcast %parallel_loop3A_308 : i32 to vector<16xi32>
        %parallel_loop3A_310 = arith.shli %parallel_loop3A_307, %parallel_loop3A_309 : vector<16xi32>
        %parallel_loop3A_311 = vector.bitcast %parallel_loop3A_310 : vector<16xi32> to vector<16xf32>
        %parallel_loop3A_312 = arith.constant -65536 : i32
        %parallel_loop3A_313 = vector.broadcast %parallel_loop3A_312 : i32 to vector<16xi32>
        %parallel_loop3A_314 = arith.andi %parallel_loop3A_307, %parallel_loop3A_313 : vector<16xi32>
        %parallel_loop3A_315 = vector.bitcast %parallel_loop3A_314 : vector<16xi32> to vector<16xf32>
        %parallel_loop3A_316 = arith.addf %parallel_loop3A_287, %parallel_loop3A_299 : vector<16xf32>
        %parallel_loop3A_317 = arith.addf %parallel_loop3A_316, %parallel_loop3A_311 : vector<16xf32>
        %parallel_loop3A_318 = arith.constant 0.000000e+00 : f32
        %parallel_loop3A_319 = vector.broadcast %parallel_loop3A_318 : f32 to vector<16xf32>
        %parallel_loop3A_320 = arith.maximumf %parallel_loop3A_317, %parallel_loop3A_319 : vector<16xf32>
        %parallel_loop3A_321 = arith.index_cast %parallel_loop3A_175 : i32 to index
        %parallel_loop3A_322 = arith.constant 32 : index
        %parallel_loop3A_323 = tpu.vector_load %arg19[%parallel_loop3A_321, %parallel_loop3A_322] {strides = array<i32>} : memref<40x128xf32, #tpu.memory_space<vmem>>, vector<16xf32>,
        tpu.vector_store %arg19[%parallel_loop3A_321, %parallel_loop3A_322], %parallel_loop3A_320 {strides = array<i32>} : memref<40x128xf32, #tpu.memory_space<vmem>>, vector<16xf32>,
        %parallel_loop3A_324 = arith.addf %parallel_loop3A_291, %parallel_loop3A_303 : vector<16xf32>
        %parallel_loop3A_325 = arith.addf %parallel_loop3A_324, %parallel_loop3A_315 : vector<16xf32>
        %parallel_loop3A_326 = arith.constant 0.000000e+00 : f32
        %parallel_loop3A_327 = vector.broadcast %parallel_loop3A_326 : f32 to vector<16xf32>
        %parallel_loop3A_328 = arith.maximumf %parallel_loop3A_325, %parallel_loop3A_327 : vector<16xf32>
        %parallel_loop3A_329 = arith.index_cast %parallel_loop3A_175 : i32 to index
        %parallel_loop3A_330 = arith.constant 96 : index
        %parallel_loop3A_331 = tpu.vector_load %arg19[%parallel_loop3A_329, %parallel_loop3A_330] {strides = array<i32>} : memref<40x128xf32, #tpu.memory_space<vmem>>, vector<16xf32>,
        tpu.vector_store %arg19[%parallel_loop3A_329, %parallel_loop3A_330], %parallel_loop3A_328 {strides = array<i32>} : memref<40x128xf32, #tpu.memory_space<vmem>>, vector<16xf32>,
        %parallel_loop3A_332 = arith.index_cast %parallel_loop3A_175 : i32 to index
        %parallel_loop3A_333 = arith.constant 48 : index
        %parallel_loop3A_334 = tpu.vector_load %arg15[%parallel_loop3A_332, %parallel_loop3A_333] {strides = array<i32>} : memref<40x64xf32, #tpu.memory_space<vmem>>, vector<16xf32>,
        %parallel_loop3A_335 = vector.bitcast %parallel_loop3A_334 : vector<16xf32> to vector<16xi32>
        %parallel_loop3A_336 = arith.constant 16 : i32
        %parallel_loop3A_337 = vector.broadcast %parallel_loop3A_336 : i32 to vector<16xi32>
        %parallel_loop3A_338 = arith.shli %parallel_loop3A_335, %parallel_loop3A_337 : vector<16xi32>
        %parallel_loop3A_339 = vector.bitcast %parallel_loop3A_338 : vector<16xi32> to vector<16xf32>
        %parallel_loop3A_340 = arith.constant -65536 : i32
        %parallel_loop3A_341 = vector.broadcast %parallel_loop3A_340 : i32 to vector<16xi32>
        %parallel_loop3A_342 = arith.andi %parallel_loop3A_335, %parallel_loop3A_341 : vector<16xi32>
        %parallel_loop3A_343 = vector.bitcast %parallel_loop3A_342 : vector<16xi32> to vector<16xf32>
        %parallel_loop3A_344 = arith.index_cast %parallel_loop3A_175 : i32 to index
        %parallel_loop3A_345 = arith.constant 48 : index
        %parallel_loop3A_346 = tpu.vector_load %arg16[%parallel_loop3A_344, %parallel_loop3A_345] {strides = array<i32>} : memref<40x64xf32, #tpu.memory_space<vmem>>, vector<16xf32>,
        %parallel_loop3A_347 = vector.bitcast %parallel_loop3A_346 : vector<16xf32> to vector<16xi32>
        %parallel_loop3A_348 = arith.constant 16 : i32
        %parallel_loop3A_349 = vector.broadcast %parallel_loop3A_348 : i32 to vector<16xi32>
        %parallel_loop3A_350 = arith.shli %parallel_loop3A_347, %parallel_loop3A_349 : vector<16xi32>
        %parallel_loop3A_351 = vector.bitcast %parallel_loop3A_350 : vector<16xi32> to vector<16xf32>
        %parallel_loop3A_352 = arith.constant -65536 : i32
        %parallel_loop3A_353 = vector.broadcast %parallel_loop3A_352 : i32 to vector<16xi32>
        %parallel_loop3A_354 = arith.andi %parallel_loop3A_347, %parallel_loop3A_353 : vector<16xi32>
        %parallel_loop3A_355 = vector.bitcast %parallel_loop3A_354 : vector<16xi32> to vector<16xf32>
        %parallel_loop3A_356 = arith.index_cast %parallel_loop3A_175 : i32 to index
        %parallel_loop3A_357 = arith.constant 48 : index
        %parallel_loop3A_358 = tpu.vector_load %arg17[%parallel_loop3A_356, %parallel_loop3A_357] {strides = array<i32>} : memref<40x64xf32, #tpu.memory_space<vmem>>, vector<16xf32>,
        %parallel_loop3A_359 = vector.bitcast %parallel_loop3A_358 : vector<16xf32> to vector<16xi32>
        %parallel_loop3A_360 = arith.constant 16 : i32
        %parallel_loop3A_361 = vector.broadcast %parallel_loop3A_360 : i32 to vector<16xi32>
        %parallel_loop3A_362 = arith.shli %parallel_loop3A_359, %parallel_loop3A_361 : vector<16xi32>
        %parallel_loop3A_363 = vector.bitcast %parallel_loop3A_362 : vector<16xi32> to vector<16xf32>
        %parallel_loop3A_364 = arith.constant -65536 : i32
        %parallel_loop3A_365 = vector.broadcast %parallel_loop3A_364 : i32 to vector<16xi32>
        %parallel_loop3A_366 = arith.andi %parallel_loop3A_359, %parallel_loop3A_365 : vector<16xi32>
        %parallel_loop3A_367 = vector.bitcast %parallel_loop3A_366 : vector<16xi32> to vector<16xf32>
        %parallel_loop3A_368 = arith.addf %parallel_loop3A_339, %parallel_loop3A_351 : vector<16xf32>
        %parallel_loop3A_369 = arith.addf %parallel_loop3A_368, %parallel_loop3A_363 : vector<16xf32>
        %parallel_loop3A_370 = arith.constant 0.000000e+00 : f32
        %parallel_loop3A_371 = vector.broadcast %parallel_loop3A_370 : f32 to vector<16xf32>
        %parallel_loop3A_372 = arith.maximumf %parallel_loop3A_369, %parallel_loop3A_371 : vector<16xf32>
        %parallel_loop3A_373 = arith.index_cast %parallel_loop3A_175 : i32 to index
        %parallel_loop3A_374 = arith.constant 48 : index
        %parallel_loop3A_375 = tpu.vector_load %arg19[%parallel_loop3A_373, %parallel_loop3A_374] {strides = array<i32>} : memref<40x128xf32, #tpu.memory_space<vmem>>, vector<16xf32>,
        tpu.vector_store %arg19[%parallel_loop3A_373, %parallel_loop3A_374], %parallel_loop3A_372 {strides = array<i32>} : memref<40x128xf32, #tpu.memory_space<vmem>>, vector<16xf32>,
        %parallel_loop3A_376 = arith.addf %parallel_loop3A_343, %parallel_loop3A_355 : vector<16xf32>
        %parallel_loop3A_377 = arith.addf %parallel_loop3A_376, %parallel_loop3A_367 : vector<16xf32>
        %parallel_loop3A_378 = arith.constant 0.000000e+00 : f32
        %parallel_loop3A_379 = vector.broadcast %parallel_loop3A_378 : f32 to vector<16xf32>
        %parallel_loop3A_380 = arith.maximumf %parallel_loop3A_377, %parallel_loop3A_379 : vector<16xf32>
        %parallel_loop3A_381 = arith.index_cast %parallel_loop3A_175 : i32 to index
        %parallel_loop3A_382 = arith.constant 112 : index
        %parallel_loop3A_383 = tpu.vector_load %arg19[%parallel_loop3A_381, %parallel_loop3A_382] {strides = array<i32>} : memref<40x128xf32, #tpu.memory_space<vmem>>, vector<16xf32>,
        tpu.vector_store %arg19[%parallel_loop3A_381, %parallel_loop3A_382], %parallel_loop3A_380 {strides = array<i32>} : memref<40x128xf32, #tpu.memory_space<vmem>>, vector<16xf32>,
      } {sc.loop_unroll_factor = 2 : i64, sc.parallel_access}
      %add3A_160 = arith.constant 1 : i32
      %add3A_161 = arith.addi %mul3A_47, %add3A_160 : i32
      %rem3A_162 = arith.constant 16 : i32
      %rem3A_163 = arith.remsi %add3A_161, %rem3A_162 : i32
      %mul3A_164 = arith.constant 40 : i32
      %mul3A_165 = arith.muli %rem3A_163, %mul3A_164 : i32
      %multiple_of3A_166 = tpu.assume_multiple %mul3A_165, 8 : i32
      %dma_start3A_167 = tpu.memref_slice %arg11[%multiple_of3A_166] : memref<640xi32, #tpu.memory_space<vmem>> -> memref<40xi32, #tpu.memory_space<vmem>>
      %dma_start3A_168 = arith.constant 0 : i32
      %dma_start3A_169 = arith.constant 0 : i32
      %dma_start3A_170 = tpu.memref_slice %arg9[%dma_start3A_168, %dma_start3A_169] : memref<10000x128xf32, #tpu.memory_space<vmem_shared>> -> memref<10000x128xf32, #tpu.memory_space<vmem_shared>>
      tpu.enqueue_indirect_dma source(%arg19 : memref<40x128xf32, #tpu.memory_space<vmem>>) target(%dma_start3A_170 : memref<10000x128xf32, #tpu.memory_space<vmem_shared>>) offsets(%dma_start3A_167 : memref<40xi32, #tpu.memory_space<vmem>>) semaphore(%arg27 : memref<!tpu.dma_semaphore, #tpu.memory_space<semaphore_mem>>) {add = true}
      %dma_wait3A_171 = tpu.memref_slice %arg11[%multiple_of3A_166] : memref<640xi32, #tpu.memory_space<vmem>> -> memref<40xi32, #tpu.memory_space<vmem>>
      %dma_wait3A_172 = arith.constant 0 : i32
      %dma_wait3A_173 = arith.constant 0 : i32
      %dma_wait3A_174 = tpu.memref_slice %arg9[%dma_wait3A_172, %dma_wait3A_173] : memref<10000x128xf32, #tpu.memory_space<vmem_shared>> -> memref<10000x128xf32, #tpu.memory_space<vmem_shared>>
      tpu.wait_indirect_dma semaphore(%arg27 : memref<!tpu.dma_semaphore, #tpu.memory_space<semaphore_mem>>) src(%arg19 : memref<40x128xf32, #tpu.memory_space<vmem>>) dst(%dma_wait3A_174 : memref<10000x128xf32, #tpu.memory_space<vmem_shared>>)
    }
    %scan3A_38 = arith.constant 125 : i32
    %barrier3A_39 = arith.constant 0 : index
    tpu.barrier barrier_id(%barrier3A_39)
    "tpu.region"() ({
      %run_scoped3A = tpu.sem_alloc : memref<!tpu.dma_semaphore, #tpu.memory_space<semaphore_mem>>
      %dma_start3A_45 = arith.constant 0 : i32
      %dma_start3A_46 = tpu.memref_slice %arg8[%arg0, %multiple_of3A, %dma_start3A_45] : memref<2x10000x128xf32, #tpu.memory_space<hbm>> -> memref<1x624x128xf32, #tpu.memory_space<hbm>>
      %dma_start3A_47 = tpu.memref_squeeze %dma_start3A_46 : memref<1x624x128xf32, #tpu.memory_space<hbm>> -> memref<624x128xf32, #tpu.memory_space<hbm>>
      %dma_start3A_48 = arith.constant 0 : i32
      %dma_start3A_49 = tpu.memref_slice %arg9[%multiple_of3A, %dma_start3A_48] : memref<10000x128xf32, #tpu.memory_space<vmem_shared>> -> memref<624x128xf32, #tpu.memory_space<vmem_shared>>
      tpu.enqueue_dma source(%dma_start3A_49 : memref<624x128xf32, #tpu.memory_space<vmem_shared>>) target(%dma_start3A_47 : memref<624x128xf32, #tpu.memory_space<hbm>>) target_semaphore(%run_scoped3A : memref<!tpu.dma_semaphore, #tpu.memory_space<semaphore_mem>>)
      %dma_wait3A = arith.constant 0 : i32
      %dma_wait3A_50 = tpu.memref_slice %arg8[%arg0, %multiple_of3A, %dma_wait3A] : memref<2x10000x128xf32, #tpu.memory_space<hbm>> -> memref<1x624x128xf32, #tpu.memory_space<hbm>>
      %dma_wait3A_51 = tpu.memref_squeeze %dma_wait3A_50 : memref<1x624x128xf32, #tpu.memory_space<hbm>> -> memref<624x128xf32, #tpu.memory_space<hbm>>
      %dma_wait3A_52 = arith.constant 0 : i32
      %dma_wait3A_53 = tpu.memref_slice %arg9[%multiple_of3A, %dma_wait3A_52] : memref<10000x128xf32, #tpu.memory_space<vmem_shared>> -> memref<624x128xf32, #tpu.memory_space<vmem_shared>>
      tpu.wait_dma2 semaphore(%run_scoped3A : memref<!tpu.dma_semaphore, #tpu.memory_space<semaphore_mem>>) src(%dma_wait3A_53 : memref<624x128xf32, #tpu.memory_space<vmem_shared>>) dst(%dma_wait3A_51 : memref<624x128xf32, #tpu.memory_space<hbm>>)
      tpu.yield
    }) : () -> ()
    %eq3A_40 = arith.constant 0 : i32
    %eq3A_41 = arith.cmpi eq, %arg1, %eq3A_40 : i32
    %convert_element_type3A_42 = arith.extui %eq3A_41 : i1 to i32
    %cond3A_43 = arith.constant 0 : i32
    %cond3A_44 = arith.cmpi ne, %convert_element_type3A_42, %cond3A_43 : i32
    scf.if %cond3A_44 {
      "tpu.region"() ({
        %run_scoped3A = tpu.sem_alloc : memref<!tpu.dma_semaphore, #tpu.memory_space<semaphore_mem>>
        %dma_start3A_45 = arith.constant 9984 : i32
        %dma_start3A_46 = arith.constant 0 : i32
        %dma_start3A_47 = tpu.memref_slice %arg8[%arg0, %dma_start3A_45, %dma_start3A_46] : memref<2x10000x128xf32, #tpu.memory_space<hbm>> -> memref<1x16x128xf32, #tpu.memory_space<hbm>>
        %dma_start3A_48 = tpu.memref_squeeze %dma_start3A_47 : memref<1x16x128xf32, #tpu.memory_space<hbm>> -> memref<16x128xf32, #tpu.memory_space<hbm>>
        %dma_start3A_49 = arith.constant 9984 : i32
        %dma_start3A_50 = arith.constant 0 : i32
        %dma_start3A_51 = tpu.memref_slice %arg9[%dma_start3A_49, %dma_start3A_50] : memref<10000x128xf32, #tpu.memory_space<vmem_shared>> -> memref<16x128xf32, #tpu.memory_space<vmem_shared>>
        tpu.enqueue_dma source(%dma_start3A_51 : memref<16x128xf32, #tpu.memory_space<vmem_shared>>) target(%dma_start3A_48 : memref<16x128xf32, #tpu.memory_space<hbm>>) target_semaphore(%run_scoped3A : memref<!tpu.dma_semaphore, #tpu.memory_space<semaphore_mem>>)
        %dma_wait3A = arith.constant 9984 : i32
        %dma_wait3A_52 = arith.constant 0 : i32
        %dma_wait3A_53 = tpu.memref_slice %arg8[%arg0, %dma_wait3A, %dma_wait3A_52] : memref<2x10000x128xf32, #tpu.memory_space<hbm>> -> memref<1x16x128xf32, #tpu.memory_space<hbm>>
        %dma_wait3A_54 = tpu.memref_squeeze %dma_wait3A_53 : memref<1x16x128xf32, #tpu.memory_space<hbm>> -> memref<16x128xf32, #tpu.memory_space<hbm>>
        %dma_wait3A_55 = arith.constant 9984 : i32
        %dma_wait3A_56 = arith.constant 0 : i32
        %dma_wait3A_57 = tpu.memref_slice %arg9[%dma_wait3A_55, %dma_wait3A_56] : memref<10000x128xf32, #tpu.memory_space<vmem_shared>> -> memref<16x128xf32, #tpu.memory_space<vmem_shared>>
        tpu.wait_dma2 semaphore(%run_scoped3A : memref<!tpu.dma_semaphore, #tpu.memory_space<semaphore_mem>>) src(%dma_wait3A_57 : memref<16x128xf32, #tpu.memory_space<vmem_shared>>) dst(%dma_wait3A_54 : memref<16x128xf32, #tpu.memory_space<hbm>>)
        tpu.yield
      }) : () -> ()
    } else {
    }
    return
  }
}

module attributes {stable_mosaic.version = 14 : i64} {
  func.func @_mm_ab_body(%arg0: i32, %arg1: memref<2000x128xf32, #tpu.memory_space<vmem>>, %arg2: memref<128x128xf32, #tpu.memory_space<vmem>>, %arg3: memref<128x128xf32, #tpu.memory_space<vmem>>, %arg4: memref<2000x64xf32, #tpu.memory_space<vmem>>, %arg5: memref<2000x64xf32, #tpu.memory_space<vmem>>) attributes {dimension_semantics = [#tpu.dimension_semantics<arbitrary>], iteration_bounds = array<i64: 5>, scalar_prefetch = 0 : i64, scratch_operands = 0 : i64, tpu.core_type = #tpu.core_type<tc>, window_params = [{transform_indices = @transform_0, window_bounds = array<i64: 2000, 128>}, {pipeline_mode = #tpu.pipeline_mode<synchronous>, transform_indices = @transform_1, window_bounds = array<i64: 128, 128>}, {pipeline_mode = #tpu.pipeline_mode<synchronous>, transform_indices = @transform_2, window_bounds = array<i64: 128, 128>}, {transform_indices = @transform_3, window_bounds = array<i64: 2000, 64>}, {transform_indices = @transform_4, window_bounds = array<i64: 2000, 64>}]} {
    %get3A = arith.constant 0 : index
    %get3A_0 = arith.constant 0 : index
    %get3A_1 = vector.load %arg1[%get3A, %get3A_0] : memref<2000x128xf32, #tpu.memory_space<vmem>>, vector<2000x128xf32>
    %get3A_2 = arith.constant 0 : index
    %get3A_3 = arith.constant 0 : index
    %get3A_4 = vector.load %arg2[%get3A_2, %get3A_3] : memref<128x128xf32, #tpu.memory_space<vmem>>, vector<128x128xf32>
    %dot_general3A = arith.constant dense<0.000000e+00> : vector<2000x128xf32>
    %dot_general3A_5 = tpu.matmul %get3A_1, %get3A_4, %dot_general3A {dimension_numbers = #tpu.dot_dimension_numbers<[1], [0], [0], [1], [0, 0, 1, 1], [], []>, transpose_lhs_hint = false} : vector<2000x128xf32>, vector<128x128xf32>, vector<2000x128xf32> -> vector<2000x128xf32>
    %slice3A = vector.extract_strided_slice %dot_general3A_5 {offsets = [0, 0], sizes = [2000, 64], strides = [1, 1]} : vector<2000x128xf32> to vector<2000x64xf32>
    %convert_element_type3A = arith.truncf %slice3A : vector<2000x64xf32> to vector<2000x64xbf16>
    %bitcast_convert_type3A = tpu.bitcast %convert_element_type3A : vector<2000x64xbf16> -> vector<2000x64xi16>
    %convert_element_type3A_6 = arith.extui %bitcast_convert_type3A : vector<2000x64xi16> to vector<2000x64xi32>
    %slice3A_7 = vector.extract_strided_slice %dot_general3A_5 {offsets = [0, 64], sizes = [2000, 64], strides = [1, 1]} : vector<2000x128xf32> to vector<2000x64xf32>
    %convert_element_type3A_8 = arith.truncf %slice3A_7 : vector<2000x64xf32> to vector<2000x64xbf16>
    %bitcast_convert_type3A_9 = tpu.bitcast %convert_element_type3A_8 : vector<2000x64xbf16> -> vector<2000x64xi16>
    %convert_element_type3A_10 = arith.extui %bitcast_convert_type3A_9 : vector<2000x64xi16> to vector<2000x64xi32>
    %shift_left3A = arith.constant 16 : i32
    %shift_left3A_11 = vector.broadcast %shift_left3A : i32 to vector<2000x64xi32>
    %shift_left3A_12 = arith.shli %convert_element_type3A_10, %shift_left3A_11 : vector<2000x64xi32>
    %or3A = arith.ori %convert_element_type3A_6, %shift_left3A_12 : vector<2000x64xi32>
    %bitcast_convert_type3A_13 = tpu.bitcast %or3A : vector<2000x64xi32> -> vector<2000x64xf32>
    %swap3A = arith.constant 0 : index
    %swap3A_14 = arith.constant 0 : index
    %swap3A_15 = vector.load %arg4[%swap3A, %swap3A_14] : memref<2000x64xf32, #tpu.memory_space<vmem>>, vector<2000x64xf32>
    tpu.vector_store %arg4[%swap3A, %swap3A_14], %bitcast_convert_type3A_13 {strides = array<i32>} : memref<2000x64xf32, #tpu.memory_space<vmem>>, vector<2000x64xf32>,
    %get3A_16 = arith.constant 0 : index
    %get3A_17 = arith.constant 0 : index
    %get3A_18 = vector.load %arg3[%get3A_16, %get3A_17] : memref<128x128xf32, #tpu.memory_space<vmem>>, vector<128x128xf32>
    %dot_general3A_19 = arith.constant dense<0.000000e+00> : vector<2000x128xf32>
    %dot_general3A_20 = tpu.matmul %get3A_1, %get3A_18, %dot_general3A_19 {dimension_numbers = #tpu.dot_dimension_numbers<[1], [0], [0], [1], [0, 0, 1, 1], [], []>, transpose_lhs_hint = false} : vector<2000x128xf32>, vector<128x128xf32>, vector<2000x128xf32> -> vector<2000x128xf32>
    %slice3A_21 = vector.extract_strided_slice %dot_general3A_20 {offsets = [0, 0], sizes = [2000, 64], strides = [1, 1]} : vector<2000x128xf32> to vector<2000x64xf32>
    %convert_element_type3A_22 = arith.truncf %slice3A_21 : vector<2000x64xf32> to vector<2000x64xbf16>
    %bitcast_convert_type3A_23 = tpu.bitcast %convert_element_type3A_22 : vector<2000x64xbf16> -> vector<2000x64xi16>
    %convert_element_type3A_24 = arith.extui %bitcast_convert_type3A_23 : vector<2000x64xi16> to vector<2000x64xi32>
    %slice3A_25 = vector.extract_strided_slice %dot_general3A_20 {offsets = [0, 64], sizes = [2000, 64], strides = [1, 1]} : vector<2000x128xf32> to vector<2000x64xf32>
    %convert_element_type3A_26 = arith.truncf %slice3A_25 : vector<2000x64xf32> to vector<2000x64xbf16>
    %bitcast_convert_type3A_27 = tpu.bitcast %convert_element_type3A_26 : vector<2000x64xbf16> -> vector<2000x64xi16>
    %convert_element_type3A_28 = arith.extui %bitcast_convert_type3A_27 : vector<2000x64xi16> to vector<2000x64xi32>
    %shift_left3A_29 = arith.constant 16 : i32
    %shift_left3A_30 = vector.broadcast %shift_left3A_29 : i32 to vector<2000x64xi32>
    %shift_left3A_31 = arith.shli %convert_element_type3A_28, %shift_left3A_30 : vector<2000x64xi32>
    %or3A_32 = arith.ori %convert_element_type3A_24, %shift_left3A_31 : vector<2000x64xi32>
    %bitcast_convert_type3A_33 = tpu.bitcast %or3A_32 : vector<2000x64xi32> -> vector<2000x64xf32>
    %swap3A_34 = arith.constant 0 : index
    %swap3A_35 = arith.constant 0 : index
    %swap3A_36 = vector.load %arg5[%swap3A_34, %swap3A_35] : memref<2000x64xf32, #tpu.memory_space<vmem>>, vector<2000x64xf32>
    tpu.vector_store %arg5[%swap3A_34, %swap3A_35], %bitcast_convert_type3A_33 {strides = array<i32>} : memref<2000x64xf32, #tpu.memory_space<vmem>>, vector<2000x64xf32>,
    return
  }
  func.func @transform_0(%arg0: i32) -> (i32, i32) {
    %c0_i32 = arith.constant 0 : i32
    %c0_i32_0 = arith.constant 0 : i32
    return %arg0, %c0_i32 : i32, i32
  }
  func.func @transform_1(%arg0: i32) -> (i32, i32) {
    %c0_i32 = arith.constant 0 : i32
    %c0_i32_0 = arith.constant 0 : i32
    %c0_i32_1 = arith.constant 0 : i32
    return %c0_i32, %c0_i32_0 : i32, i32
  }
  func.func @transform_2(%arg0: i32) -> (i32, i32) {
    %c0_i32 = arith.constant 0 : i32
    %c0_i32_0 = arith.constant 0 : i32
    %c0_i32_1 = arith.constant 0 : i32
    return %c0_i32, %c0_i32_0 : i32, i32
  }
  func.func @transform_3(%arg0: i32) -> (i32, i32) {
    %c0_i32 = arith.constant 0 : i32
    %c0_i32_0 = arith.constant 0 : i32
    return %arg0, %c0_i32 : i32, i32
  }
  func.func @transform_4(%arg0: i32) -> (i32, i32) {
    %c0_i32 = arith.constant 0 : i32
    %c0_i32_0 = arith.constant 0 : i32
    return %arg0, %c0_i32 : i32, i32
  }
}

module attributes {stable_mosaic.version = 14 : i64} {
  func.func @_mm_c_body(%arg0: i32, %arg1: memref<16x16000xf32, #tpu.memory_space<vmem>>, %arg2: memref<16x128xf32, #tpu.memory_space<vmem>>, %arg3: memref<1x128xf32, #tpu.memory_space<vmem>>, %arg4: memref<16000x128xf32, #tpu.memory_space<vmem>>) attributes {dimension_semantics = [#tpu.dimension_semantics<arbitrary>], iteration_bounds = array<i64: 20>, scalar_prefetch = 0 : i64, scratch_operands = 0 : i64, tpu.core_type = #tpu.core_type<tc>, window_params = [{transform_indices = @transform_0, window_bounds = array<i64: 16, 16000>}, {pipeline_mode = #tpu.pipeline_mode<synchronous>, transform_indices = @transform_1, window_bounds = array<i64: 16, 128>}, {pipeline_mode = #tpu.pipeline_mode<synchronous>, transform_indices = @transform_2, window_bounds = array<i64: 1, 128>}, {transform_indices = @transform_3, window_bounds = array<i64: 16000, 128>}]} {
    %get3A = arith.constant 0 : index
    %get3A_0 = arith.constant 0 : index
    %get3A_1 = vector.load %arg1[%get3A, %get3A_0] : memref<16x16000xf32, #tpu.memory_space<vmem>>, vector<16x16000xf32>
    %get3A_2 = arith.constant 0 : index
    %get3A_3 = arith.constant 0 : index
    %get3A_4 = vector.load %arg2[%get3A_2, %get3A_3] : memref<16x128xf32, #tpu.memory_space<vmem>>, vector<16x128xf32>
    %dot_general3A = arith.constant dense<0.000000e+00> : vector<16000x128xf32>
    %dot_general3A_5 = tpu.matmul %get3A_1, %get3A_4, %dot_general3A {dimension_numbers = #tpu.dot_dimension_numbers<[0], [0], [1], [1], [0, 1, 1, 1], [], []>, transpose_lhs_hint = false} : vector<16x16000xf32>, vector<16x128xf32>, vector<16000x128xf32> -> vector<16000x128xf32>
    %get3A_6 = arith.constant 0 : index
    %get3A_7 = arith.constant 0 : index
    %get3A_8 = vector.load %arg3[%get3A_6, %get3A_7] : memref<1x128xf32, #tpu.memory_space<vmem>>, vector<1x128xf32>
    %add3A = vector.broadcast %get3A_8 : vector<1x128xf32> to vector<16000x128xf32>
    %add3A_9 = arith.addf %dot_general3A_5, %add3A : vector<16000x128xf32>
    %slice3A = vector.extract_strided_slice %add3A_9 {offsets = [0, 0], sizes = [16000, 64], strides = [1, 1]} : vector<16000x128xf32> to vector<16000x64xf32>
    %convert_element_type3A = arith.truncf %slice3A : vector<16000x64xf32> to vector<16000x64xbf16>
    %bitcast_convert_type3A = tpu.bitcast %convert_element_type3A : vector<16000x64xbf16> -> vector<16000x64xi16>
    %convert_element_type3A_10 = arith.extui %bitcast_convert_type3A : vector<16000x64xi16> to vector<16000x64xi32>
    %slice3A_11 = vector.extract_strided_slice %add3A_9 {offsets = [0, 64], sizes = [16000, 64], strides = [1, 1]} : vector<16000x128xf32> to vector<16000x64xf32>
    %convert_element_type3A_12 = arith.truncf %slice3A_11 : vector<16000x64xf32> to vector<16000x64xbf16>
    %bitcast_convert_type3A_13 = tpu.bitcast %convert_element_type3A_12 : vector<16000x64xbf16> -> vector<16000x64xi16>
    %convert_element_type3A_14 = arith.extui %bitcast_convert_type3A_13 : vector<16000x64xi16> to vector<16000x64xi32>
    %shift_left3A = arith.constant 16 : i32
    %shift_left3A_15 = vector.broadcast %shift_left3A : i32 to vector<16000x64xi32>
    %shift_left3A_16 = arith.shli %convert_element_type3A_14, %shift_left3A_15 : vector<16000x64xi32>
    %or3A = arith.ori %convert_element_type3A_10, %shift_left3A_16 : vector<16000x64xi32>
    %bitcast_convert_type3A_17 = tpu.bitcast %or3A : vector<16000x64xi32> -> vector<16000x64xf32>
    %broadcast_in_dim3A = arith.constant 0.000000e+00 : f32
    %broadcast_in_dim3A_18 = vector.broadcast %broadcast_in_dim3A : f32 to vector<16000x64xf32>
    %concatenate3A = tpu.concatenate %bitcast_convert_type3A_17, %broadcast_in_dim3A_18 in 1 : vector<16000x64xf32>, vector<16000x64xf32> -> vector<16000x128xf32>
    %swap3A = arith.constant 0 : index
    %swap3A_19 = arith.constant 0 : index
    %swap3A_20 = vector.load %arg4[%swap3A, %swap3A_19] : memref<16000x128xf32, #tpu.memory_space<vmem>>, vector<16000x128xf32>
    tpu.vector_store %arg4[%swap3A, %swap3A_19], %concatenate3A {strides = array<i32>} : memref<16000x128xf32, #tpu.memory_space<vmem>>, vector<16000x128xf32>,
    return
  }
  func.func @transform_0(%arg0: i32) -> (i32, i32) {
    %c0_i32 = arith.constant 0 : i32
    %c0_i32_0 = arith.constant 0 : i32
    return %c0_i32, %arg0 : i32, i32
  }
  func.func @transform_1(%arg0: i32) -> (i32, i32) {
    %c0_i32 = arith.constant 0 : i32
    %c0_i32_0 = arith.constant 0 : i32
    %c0_i32_1 = arith.constant 0 : i32
    return %c0_i32, %c0_i32_0 : i32, i32
  }
  func.func @transform_2(%arg0: i32) -> (i32, i32) {
    %c0_i32 = arith.constant 0 : i32
    %c0_i32_0 = arith.constant 0 : i32
    %c0_i32_1 = arith.constant 0 : i32
    return %c0_i32, %c0_i32_0 : i32, i32
  }
  func.func @transform_3(%arg0: i32) -> (i32, i32) {
    %c0_i32 = arith.constant 0 : i32
    %c0_i32_0 = arith.constant 0 : i32
    return %arg0, %c0_i32 : i32, i32
  }
}

module attributes {stable_mosaic.version = 14 : i64} {
  func.func @_mm_out_body(%arg0: i32, %arg1: memref<2x2000x128xf32, #tpu.memory_space<vmem>>, %arg2: memref<128x128xf32, #tpu.memory_space<vmem>>, %arg3: memref<2000x128xf32, #tpu.memory_space<vmem>>) attributes {dimension_semantics = [#tpu.dimension_semantics<arbitrary>], iteration_bounds = array<i64: 5>, scalar_prefetch = 0 : i64, scratch_operands = 0 : i64, tpu.core_type = #tpu.core_type<tc>, window_params = [{transform_indices = @transform_0, window_bounds = array<i64: 2, 2000, 128>}, {pipeline_mode = #tpu.pipeline_mode<synchronous>, transform_indices = @transform_1, window_bounds = array<i64: 128, 128>}, {transform_indices = @transform_2, window_bounds = array<i64: 2000, 128>}]} {
    %get3A = arith.constant 0 : index
    %get3A_0 = arith.constant 0 : index
    %get3A_1 = arith.constant 0 : index
    %get3A_2 = vector.load %arg1[%get3A, %get3A_0, %get3A_1] : memref<2x2000x128xf32, #tpu.memory_space<vmem>>, vector<1x2000x128xf32>
    %get3A_3 = vector.shape_cast %get3A_2 : vector<1x2000x128xf32> to vector<2000x128xf32>
    %get3A_4 = arith.constant 1 : index
    %get3A_5 = arith.constant 0 : index
    %get3A_6 = arith.constant 0 : index
    %get3A_7 = vector.load %arg1[%get3A_4, %get3A_5, %get3A_6] : memref<2x2000x128xf32, #tpu.memory_space<vmem>>, vector<1x2000x128xf32>
    %get3A_8 = vector.shape_cast %get3A_7 : vector<1x2000x128xf32> to vector<2000x128xf32>
    %add3A = arith.addf %get3A_3, %get3A_8 : vector<2000x128xf32>
    %get3A_9 = arith.constant 0 : index
    %get3A_10 = arith.constant 0 : index
    %get3A_11 = vector.load %arg2[%get3A_9, %get3A_10] : memref<128x128xf32, #tpu.memory_space<vmem>>, vector<128x128xf32>
    %dot_general3A = arith.constant dense<0.000000e+00> : vector<2000x128xf32>
    %dot_general3A_12 = tpu.matmul %add3A, %get3A_11, %dot_general3A {dimension_numbers = #tpu.dot_dimension_numbers<[1], [0], [0], [1], [0, 0, 1, 1], [], []>, transpose_lhs_hint = false} : vector<2000x128xf32>, vector<128x128xf32>, vector<2000x128xf32> -> vector<2000x128xf32>
    %swap3A = arith.constant 0 : index
    %swap3A_13 = arith.constant 0 : index
    %swap3A_14 = vector.load %arg3[%swap3A, %swap3A_13] : memref<2000x128xf32, #tpu.memory_space<vmem>>, vector<2000x128xf32>
    tpu.vector_store %arg3[%swap3A, %swap3A_13], %dot_general3A_12 {strides = array<i32>} : memref<2000x128xf32, #tpu.memory_space<vmem>>, vector<2000x128xf32>,
    return
  }
  func.func @transform_0(%arg0: i32) -> (i32, i32, i32) {
    %c0_i32 = arith.constant 0 : i32
    %c0_i32_0 = arith.constant 0 : i32
    %c0_i32_1 = arith.constant 0 : i32
    return %c0_i32, %arg0, %c0_i32_0 : i32, i32, i32
  }
  func.func @transform_1(%arg0: i32) -> (i32, i32) {
    %c0_i32 = arith.constant 0 : i32
    %c0_i32_0 = arith.constant 0 : i32
    %c0_i32_1 = arith.constant 0 : i32
    return %c0_i32, %c0_i32_0 : i32, i32
  }
  func.func @transform_2(%arg0: i32) -> (i32, i32) {
    %c0_i32 = arith.constant 0 : i32
    %c0_i32_0 = arith.constant 0 : i32
    return %arg0, %c0_i32 : i32, i32
  }
}

</mosaic_0001>

<sc_bundles>
// kernel: kernel.6.cloned.1.call-start
scs
__scs_entry_jumppad:
0x0: {  	(pc) =	sbr.rel $0x88, $3  }
0x1: {  	(tag) =	ssettag $0x0;
	lr =	simm.s32 $0x1  }
0x2: {  	[smem:$0x3F9B] =	sst lr;
	_ =	strace $0xD0000000  }
0x3: {  	_ = 	snop  }
0x4: {  	_ = 	snop  }
0x5: {  	_ = 	snop  }
0x6: {  	_ = 	snop  }
0x7: {  	_ = 	snop  }
__scs_overlays_trampoline_lowered:
0x8: {  	[smem:$0x3FAA] =	sst s0  }
0x9: {  	[smem:$0x3FAB] =	sst s1  }
0xa: {  	[smem:$0x3FAC] =	sst s2  }
0xb: {  	[smem:$0x3FAD] =	sst s3  }
0xc: {  	[smem:$0x3FAE] =	sst s4  }
0xd: {  	[smem:$0x3FAF] =	sst s5  }
0xe: {  	[smem:$0x3FB0] =	sst s6  }
0xf: {  	[smem:$0x3FB1] =	sst s7  }
0x10: {  	[smem:$0x3FB2] =	sst s8  }
0x11: {  	[smem:$0x3FB3] =	sst s9;
	s0 =	simm.s32 @!p0 $0x0  }
0x12: {  	s1 =	sld [smem:$0x3F99];
	s0 =	simm.s32 @p0 $0x1  }
0x13: {  	[smem:$0x3FB4] =	sst s0;
	s0 =	simm.s32 @!p1 $0x0  }
0x14: {  	s2 =	sld [smem:$0x3F98];
	s0 =	simm.s32 @p1 $0x1  }
0x15: {  	[smem:$0x3FB5] =	sst s0;
	s0 =	simm.s32 @!p2 $0x0  }
0x16: {  	s3 =	sld [smem:$0x3FDB];
	s0 =	simm.s32 @p2 $0x1  }
0x17: {  	s4 =	simm.s32 $0x1BF5;
	[smem:$0x3FB7] =	sst s0  }
0x18: {  	s0 =	sld [smem:$0x3F9A];
	_ =	swait.ge [sflag:s4], $0x0  }
0x19: {  	s7 =	sld [smem:$0x3F9B]  }
0x1a: {  	s8 =	sadd.s32 $0xFFFFE003, lr  }
0x1b: {  	s9 =	sadd.s32 $0xFFFFFEF7, lr;
	s5 =	simm.s32 $0xFFFFFFFF;
	p2 =	slt.u32 s8, $0xFFFFF086  }
0x1c: {  	p1 =	slt.u32 s9, $0xF7A;
	s5 =	simm.s32 @!p2 $0x0  }
0x1d: {  	s5 =	simm.s32 @p1 $0x1;
	p0 =	seq.s32 s7, s2  }
0x1e: {  	s7 =	smul.u32 @!p0 $0xF7A, s2;
	p2 =	seq.s32 @!p0 s5, $0x0  }
0x1f: {  	s9 =	smul.u32 $0xF7A, s1;
	s8 =	simm.s32 @!p0 $0x1BF5;
	p2 =	por !p2, p0  }
0x20: {  	[sflag:s8] =	ssyncset.s32 @!p0 $0xFFFFF086;
	s6 =	sadd.s32 @!p0 s3, s7;
	s7 =	simm.s32 @!p0 $0x108  }
0x21: {  	s3 =	sadd.s32 s3, s9;
	s6 =	sadd.s32 @!p0 $0x88, s6;
	s7 =	simm.s32 @p2 $0x1082  }
0x22: {  	[simem:s7], [sflag:s8] =	dma.local @!p0 [hbm:s6], $0xF7A  }
0x23: {  	s9 =	sor.u32 $0xD0000000, s2;
	s6 =	simm.s32 $0x108;
	_ =	swait.ge @!p0 [sflag:s8], $0x0  }
0x24: {  	s3 =	sadd.s32 $0x88, s3;
	s6 =	simm.s32 @!p1 $0x1082;
	[sflag:s4] =	ssyncset.s32 $0xFFFFF086  }
0x25: {  	[simem:s6], [sflag:s4] =	dma.local [hbm:s3], $0xF7A  }
0x26: {  	[smem:$0x3F9B] =	sst s1;
	(tag) =	ssettag s2;
	_ =	strace s9  }
0x27: {  	s1 =	sld [smem:$0x3FAB]  }
0x28: {  	s2 =	sld [smem:$0x3FAC]  }
0x29: {  	s4 =	sld [smem:$0x3FAE]  }
0x2a: {  	p0 =	seq.s32 s5, $0x0;
	s5 =	sld [smem:$0x3FAF]  }
0x2b: {  	s6 =	sld [smem:$0x3FB0]  }
0x2c: {  	s7 =	sld [smem:$0x3FB1]  }
0x2d: {  	s3 =	simm.s32 $0x108;
	s8 =	sld [smem:$0x3FB2]  }
0x2e: {  	s3 =	simm.s32 @!p0 $0x1082;
	s9 =	sld [smem:$0x3FB3]  }
0x2f: {  	lr =	sadd.s32 s0, s3;
	s0 =	sld [smem:$0x3FAA]  }
0x30: {  	s3 =	sld [smem:$0x3FAD]  }
0x31: {  	[smem:$0x3FB6] =	sst s10  }
0x32: {  	s10 =	sld [smem:$0x3FB4];
	_ =	sdelay $0x3  }
0x33: {  	p0 =	seq.s32 s10, $0x1;
	s10 =	sld [smem:$0x3FB6];
	_ =	sdelay $0x3  }
0x34: {  	[smem:$0x3FB6] =	sst s10  }
0x35: {  	s10 =	sld [smem:$0x3FB5];
	_ =	sdelay $0x3  }
0x36: {  	p1 =	seq.s32 s10, $0x1;
	s10 =	sld [smem:$0x3FB6];
	_ =	sdelay $0x3  }
0x37: {  	[smem:$0x3FB6] =	sst s10  }
0x38: {  	s10 =	sld [smem:$0x3FB7]  }
0x39: {  	_ = 	snop;
	(pc) =	sbr.ind lr, $3  }
0x3a: {  	_ = 	snop  }
0x3b: {  	_ = 	snop  }
0x3c: {  	p2 =	seq.s32 s10, $0x1;
	s10 =	sld [smem:$0x3FB6]  }
0x3d: {  	_ =	shalt  }
0x3e: {  	_ =	shalt  }
0x3f: {  	_ =	shalt  }
0x40: {  	_ =	shalt  }
0x41: {  	_ =	shalt  }
0x42: {  	_ =	shalt  }
0x43: {  	_ =	shalt  }
0x44: {  	_ =	shalt  }
0x45: {  	_ =	shalt  }
0x46: {  	_ =	shalt  }
0x47: {  	_ =	shalt  }
0x48: {  	_ =	shalt  }
0x49: {  	_ =	shalt  }
0x4a: {  	_ =	shalt  }
0x4b: {  	_ =	shalt  }
0x4c: {  	_ =	shalt  }
0x4d: {  	_ =	shalt  }
0x4e: {  	_ =	shalt  }
0x4f: {  	_ =	shalt  }
0x50: {  	_ =	shalt  }
0x51: {  	_ =	shalt  }
0x52: {  	_ =	shalt  }
0x53: {  	_ =	shalt  }
0x54: {  	_ =	shalt  }
0x55: {  	_ =	shalt  }
0x56: {  	_ =	shalt  }
0x57: {  	_ =	shalt  }
0x58: {  	_ =	shalt  }
0x59: {  	_ =	shalt  }
0x5a: {  	_ =	shalt  }
0x5b: {  	_ =	shalt  }
0x5c: {  	_ =	shalt  }
0x5d: {  	_ =	shalt  }
0x5e: {  	_ =	shalt  }
0x5f: {  	_ =	shalt  }
0x60: {  	_ =	shalt  }
0x61: {  	_ =	shalt  }
0x62: {  	_ =	shalt  }
0x63: {  	_ =	shalt  }
0x64: {  	_ =	shalt  }
0x65: {  	_ =	shalt  }
0x66: {  	_ =	shalt  }
0x67: {  	_ =	shalt  }
0x68: {  	_ =	shalt  }
0x69: {  	_ =	shalt  }
0x6a: {  	_ =	shalt  }
0x6b: {  	_ =	shalt  }
0x6c: {  	_ =	shalt  }
0x6d: {  	_ =	shalt  }
0x6e: {  	_ =	shalt  }
0x6f: {  	_ =	shalt  }
0x70: {  	_ =	shalt  }
0x71: {  	_ =	shalt  }
0x72: {  	_ =	shalt  }
0x73: {  	_ =	shalt  }
0x74: {  	_ =	shalt  }
0x75: {  	_ =	shalt  }
0x76: {  	_ =	shalt  }
0x77: {  	_ =	shalt  }
0x78: {  	_ =	shalt  }
0x79: {  	_ =	shalt  }
0x7a: {  	_ =	shalt  }
0x7b: {  	_ =	shalt  }
0x7c: {  	_ =	shalt  }
0x7d: {  	_ =	shalt  }
0x7e: {  	_ =	shalt  }
0x7f: {  	_ =	shalt  }
0x80: {  	_ =	shalt  }
0x81: {  	_ =	shalt  }
0x82: {  	_ =	shalt  }
0x83: {  	_ =	shalt  }
0x84: {  	_ =	shalt  }
0x85: {  	_ =	shalt  }
0x86: {  	_ =	shalt  }
0x87: {  	_ =	shalt  }
.Lfunc_end0:
.L_simem_size_0:
called_computation_lowered:
.L_overlay_start_0:
0x88: {  	s2 =	sld [smem:$0x3FD9]  }
0x89: {  	s3 =	sld [smem:$0x3FFE];
	_ =	sdelay $0x1  }
0x8a: {  	s1 =	srdreg.scid  }
0x8b: {  	s0 =	sand.u32 $0x1, s1  }
0x8c: {  	s17 =	sshll.u32 s0, $0xA;
	s2 =	sadd.s32 s3, s2  }
0x8d: {  	s2 =	sadd.s32 s2, s17  }
0x8e: {  	[smem:$0x3FC2] =	sst s2  }
0x8f: {  	_ = 	snop  }
0x90: {  	s2 =	sld [smem:$0x3FD0];
	(tm) =	ssettm $0x1  }
0x91: {  	s18 =	sld [smem:$0x3FFB];
	_ =	sdelay $0x3  }
0x92: {  	_ =	strace s18  }
0x93: {  	s3 =	sld [smem:$0x3FFC];
	_ =	sdelay $0x3  }
0x94: {  	_ =	strace s3  }
0x95: {  	s3 =	sld [smem:$0x3FFD];
	_ =	sdelay $0x3  }
0x96: {  	_ =	strace s3  }
0x97: {  	_ =	strace $0x8FFFFFFF  }
0x98: {  	s19 =	sld [smem:$0x3FDB];
	_ =	sdelay $0x1  }
0x99: {  	s4 =	simm.s32 $_scs_section_size  }
0x9a: {  	s5 =	simm.s32 $_size__tile_overlayer_lowered;
	s6 =	simm.s32 $_tile_overlayer_lowered  }
0x9b: {  	s22 =	simm.s32 $0x1BFF;
	s21 =	sshll.u32 s6, $0x1;
	s3 =	sadd.s32 s4, s19  }
0x9c: {  	s7 =	simm.s32 $0x0;
	s20 =	sshll.u32 s5, $0x1;
	s5 =	sadd.s32 s21, s3  }
0x9d: {  	[timem:s7], [sflag:s22] =	dma.local [hbm:s5], s20  }
0x9e: {  	_ =	swait.ge [sflag:s22], s20  }
0x9f: {  	s4 =	ssub.s32 $0x0, s20;
	[sflag:s22] =	ssyncset.done $0x0  }
0xa0: {  	[sflag:s22] =	ssyncadd.s32 s4;
	_ =	sdelay $0x1  }
0xa1: {  	s23 =	simm.s32 $0x1B8B  }
0xa2: {  	_ =	swait.ge [sflag:s23], $0x1  }
0xa3: {  	[sflag:s23] =	ssyncset.done $0x0  }
0xa4: {  	s25 =	simm.s32 $0x1B8E;
	s24 =	sld [smem:$0x3FFE];
	[sflag:s23] =	ssyncadd.s32 $0xFFFFFFFF  }
0xa5: {  	s26 =	simm.s32 $execute0_lowered;
	[smem:$0x3FD2] =	sst s25  }
0xa6: {  	s5 =	sshll.u32 s26, $0x1;
	_ =	strace $0x80000046;
	[dreg:$0x1] =	wrdreg $0xFFFFFFFF  }
0xa7: {  	s28 =	simm.s32 $_size_execute0_lowered;
	s3 =	sadd.s32 s3, s5;
	[dreg:$0x0] =	wrdreg $0x0  }
0xa8: {  	s5 =	sshll.u32 s28, $0x1;
	[dreg:$0x2] =	wrdreg s3  }
0xa9: {  	[dreg:$0x3] =	wrdreg s5  }
0xaa: {  	[dreg:$0x4] =	wrdreg $0xC0  }
0xab: {  	_ =	task [dreg:s7], $0x5FFFF  }
0xac: {  	[dreg:$0x1] =	wrdreg $0xFFFFFFFF  }
0xad: {  	[dreg:$0x0] =	wrdreg $0x60  }
0xae: {  	[dreg:$0x2] =	wrdreg s2  }
0xaf: {  	[dreg:$0x3] =	wrdreg s24  }
0xb0: {  	[dreg:$0x4] =	wrdreg $0x0  }
0xb1: {  	[dreg:$0x5] =	wrdreg $0x9  }
0xb2: {  	_ =	task.clear_ibuf [dreg:s7], $0x6FFFF;
	_ =	strace $0x90000046  }
0xb3: {  	s29 =	simm.s32 $0x9;
	_ =	strace $0x80000048  }
0xb4: {  	_ =	swait.ge [sflag:s29], $0x1  }
0xb5: {  	[sflag:s29] =	ssyncadd.s32 $0xFFFFFFFF  }
0xb6: {  	_ =	strace $0x90000048  }
0xb7: {  	_ =	sfence  }
0xb8: {  	s30 =	sld [smem:$0x0];
	_ =	sdelay $0x2  }
0xb9: {  	s31 =	sshll.u32 s1, $0xD;
	s1 =	sshrl.u32 s1, $0x2  }
0xba: {  	s3 =	sand.u32 $0x4000, s31;
	s1 =	sadd.s32 s1, s30  }
0xbb: {  	s0 =	sor.u32 s3, s0;
	s1 =	sshll.u32 s1, $0x11  }
0xbc: {  	s0 =	sor.u32 s1, s0  }
0xbd: {  	s0 =	sadd.s32 $0x8F2B, s0  }
0xbe: {  	[sflag:s0] =	ssyncadd.remote.s32 $0x1  }
0xbf: {  	_ =	sfence.sel $0xFFFF  }
0xc0: {  	[dreg:$0x0] =	wrdreg $0xFFFFFFFF;
	(pc) =	sbr.abs _section_cstart, $3  }
0xc1: {  	[dreg:$0x1] =	wrdreg $0xFFFFFFFF  }
0xc2: {  	_ =	task.clear_ibuf [dreg:s7], $0x2FFFF;
	_ =	strace $0x9FFFFFFF  }
0xc3: {  	(tm) =	ssettm $0x7FFFFFFF  }
tec
execute0_lowered:
.L_overlay_start_1:
0x0: {  	(tag) =	ssettag $0x1  }
0x1: {  	s0 =	rddreg [dreg:$0x1]  }
0x2: {  	s28 =	rddreg [dreg:$0x2]  }
0x3: {  	s1 =	simm.s32 $0x0;
	s2 =	srdreg.scid;
	s3 =	stileid.u32  }
0x4: {  	s22 =	simm.s32 $0x28;
	s29 =	simm.s32 $0x1;
	s30 =	simm.s32 $0x2  }
0x5: {  	s31 =	simm.s32 $0x3;
	s20 =	simm.s32 $0x5;
	s21 =	simm.s32 $0x6  }
0x6: {  	[smem:$0x7FF] =	sst s1;
	s4 =	sadd.s32 $0x14600, s0;
	s5 =	sadd.s32 $0x28000, s0  }
0x7: {  	s6 =	sadd.s32 $0xA800, s0;
	s2 =	sand.u32 $0x1, s2;
	s7 =	sadd.s32 $0xA00, s0  }
0x8: {  	s11 =	smul.u32 $0x13800, s3;
	s23 =	sadd.s32 $0x50A000, s0;
	s0 =	sadd.s32 $0x50C800, s0  }
0x9: {  	s13 =	sshll.u32 s3, $0x6;
	p0 =	sne.s32 s3, $0x0;
	_ =	strace $0x80000047  }
0xa: {  	s8 =	sshll.u32 s2, $0x4;
	s10 =	ssub.s32 $0x2, s2;
	[dreg:$0x4] =	wrdreg s23  }
0xb: {  	s2 =	smul.u32 $0x138800, s2;
	s1 =	sor.u32 $0x1C09, s13;
	s13 =	sadd.s32 $0x138000, s28  }
0xc: {  	s8 =	sor.u32 s3, s8;
	s12 =	sshrl.u32 s10, $0x1;
	s24 =	sadd.s32 s11, s28  }
0xd: {  	[dreg:$0x5] =	wrdreg s1;
	s9 =	smul.u32 $0x2710, s8;
	s10 =	ssub.s32 s10, s12  }
0xe: {  	s8 =	smul.u32 $0x27100, s8;
	s11 =	sadd.s32 s11, s2;
	s12 =	sshrl.u32 @!p0 s13, $0x3  }
0xf: {  	s2 =	sshrl.u32 s2, $0x3;
	s26 =	smax.u32 s10, $0x1;
	[dreg:$0xd] =	wrdreg s12  }
0x10: {  	s11 =	sshrl.u32 s11, $0x3;
	s8 =	sadd.s32 s5, s8;
	[dreg:$0xb] =	wrdreg s26  }
0x11: {  	s2 =	sadd.s32 s0, s2;
	s0 =	sadd.s32 s0, s11;
	[dreg:$0x8] =	wrdreg s8  }
0x12: {  	s14 =	sshrl.u32 s9, $0x3;
	s25 =	sadd.s32 $0x27000, s2;
	[dreg:$0x9] =	wrdreg s0  }
0x13: {  	s3 =	simm.s32 $0x4;
	s15 =	sadd.s32 s6, s14;
	[dreg:$0xa] =	wrdreg s25  }
0x14: {  	s13 =	simm.s32 $0x8;
	s14 =	sadd.s32 s7, s14;
	[dreg:$0x6] =	wrdreg s15  }
0x15: {  	s10 =	simm.s32 $0x9;
	s8 =	sshrl.u32 s24, $0x3;
	[dreg:$0x7] =	wrdreg s14  }
0x16: {  	s11 =	simm.s32 $0x7;
	s14 =	simm.s32 $0x0;
	[dreg:$0xc] =	wrdreg s8  }
.LBB2_1:
0x17: {  	[dreg:$0xe] =	wrdreg s14  }
0x18: {  	s0 =	rddreg [dreg:$0x4]  }
0x19: {  	[spmem:s8], [sflag:s1] =	dma.local [hbm:s0], $0x2700  }
0x1a: {  	_ =	swait.ge [sflag:s10], $0x2700  }
0x1b: {  	[sflag:s10] =	ssyncset.done $0x0  }
0x1c: {  	[sflag:s10] =	ssyncadd.s32 $0xFFFFD900  }
0x1d: {  	[spmem:s12], [sflag:s1] =	dma.local @!p0 [hbm:s0], $0x100  }
0x1e: {  	s0 =	simm.s32 @!p0 $0x9  }
0x1f: {  	_ =	swait.ge @!p0 [sflag:s0], $0x100  }
0x20: {  	s2 =	simm.s32 $0x13880;
	[sflag:s0] =	ssyncset.done @!p0 $0x0  }
0x21: {  	s12 =	simm.s32 $0x0;
	s14 =	rddreg [dreg:$0x6];
	[sflag:s0] =	ssyncadd.s32 @!p0 $0xFFFFFF00  }
0x22: {  	[tilespmem:s2], [sflag:$0x9] =	stream.linear.gather [hbm4b:s14+s12], $0x280, $0x38;
	[tilespmem:$0x1A180] =	vst v63  }
0x23: {  	_ =	swait.ge [sflag:s10], $0x280  }
0x24: {  	[sflag:s10] =	ssyncset.done $0x0  }
0x25: {  	s16 =	simm.s32 $0x13B00;
	s15 =	rddreg [dreg:$0x7];
	[sflag:s10] =	ssyncadd.s32 $0xFFFFFD80  }
0x26: {  	[tilespmem:s16], [sflag:$0x9] =	stream.linear.gather [hbm4b:s15+s12], $0x280, $0x38;
	[tilespmem:$0x1A180] =	vst v63  }
0x27: {  	_ =	swait.ge [sflag:s10], $0x280  }
0x28: {  	[sflag:s10] =	ssyncset.done $0x0  }
0x29: {  	[sflag:s10] =	ssyncadd.s32 $0xFFFFFD80  }
0x2a: {  	[bflag:$0x0] =	sbarrier.arrive $0xFFFF  }
0x2b: {  	s18 =	simm.s32 $0x13D80;
	s17 =	rddreg [dreg:$0x0]  }
0x2c: {  	[tilespmem:s18], [sflag:$0x1] =	stream.indirect.gather [hbm4b:s17+s22], $0x40, s2, s22, $0xb8;
	[tilespmem:$0x1A180] =	vst v63  }
0x2d: {  	s19 =	simm.s32 $0x14780;
	s24 =	simm.s32 $0x40;
	s25 =	simm.s32 $0x80  }
0x2e: {  	[tilespmem:s19], [sflag:$0x2] =	stream.indirect.gather [hbm4b:s4+s22], $0x40, s16, s22, $0xb8;
	[tilespmem:$0x1A180] =	vst v63  }
0x2f: {  	s26 =	simm.s32 $0x15180;
	s15 =	simm.s32 $0x0;
	s23 =	rddreg [dreg:$0x8]  }
0x30: {  	[tilespmem:s26], [sflag:$0x3] =	stream.strided.gather [hbm4b:s23+s24], $0xA00, s25, s24, $0x38;
	[tilespmem:$0x1A180] =	vst v63  }
.LBB2_2:
0x31: {  	s0 =	sand.u32 $0x3, s15  }
0x32: {  	s8 =	sshll.u32 s15, $0x1;
	p1 =	sne.s32 s0, $0x0  }
0x33: {  	s0 =	sadd.s32 @!p1 $0x8, s8;
	p2 =	sgt.u32 @!p1 s15, $0x75  }
0x34: {  	s2 =	smul.u32 @!p1 $0x28, s0;
	p2 =	por p2, p1  }
0x35: {  	s10 =	sand.u32 @!p2 $0x8, s0  }
0x36: {  	s2 =	sadd.s32 @!p1 s9, s2;
	s10 =	smul.u32 @!p2 $0x28, s10  }
0x37: {  	s12 =	sshrl.u32 @!p2 s2, $0x3  }
0x38: {  	s17 =	simm.s32 @!p2 $0x0;
	s14 =	sadd.s32 @!p2 $0x13880, s10;
	s16 =	sadd.s32 @!p2 s6, s12  }
0x39: {  	[tilespmem:s14], [sflag:$0x9] =	stream.linear.gather @!p2 [hbm4b:s16+s17], $0x140, $0x38;
	[tilespmem:$0x1A180] =	vst v63  }
0x3a: {  	s14 =	simm.s32 @!p2 $0x9  }
0x3b: {  	p3 =	sne.s32 @!p1 s0, $0xF8;
	_ =	swait.ge @!p2 [sflag:s14], $0x140  }
0x3c: {  	p1 =	por p3, p1;
	[sflag:s14] =	ssyncset.done @!p2 $0x0  }
0x3d: {  	s10 =	sadd.s32 @!p2 $0x13B00, s10;
	s12 =	sadd.s32 @!p2 s7, s12;
	[sflag:s14] =	ssyncadd.s32 @!p2 $0xFFFFFEC0  }
0x3e: {  	[tilespmem:s10], [sflag:$0x9] =	stream.linear.gather @!p2 [hbm4b:s12+s17], $0x140, $0x38;
	[tilespmem:$0x1A180] =	vst v63  }
0x3f: {  	s0 =	sshrl.u32 @!p1 s2, $0x3;
	_ =	swait.ge @!p2 [sflag:s14], $0x140  }
0x40: {  	s2 =	sadd.s32 @!p1 s6, s0;
	[sflag:s14] =	ssyncset.done @!p2 $0x0  }
0x41: {  	s10 =	simm.s32 @!p1 $0x0;
	s12 =	simm.s32 @!p1 $0x139C0;
	[sflag:s14] =	ssyncadd.s32 @!p2 $0xFFFFFEC0  }
0x42: {  	[tilespmem:s12], [sflag:$0x9] =	stream.linear.gather @!p1 [hbm4b:s2+s10], $0x50, $0x38;
	[tilespmem:$0x1A180] =	vst v63  }
0x43: {  	s2 =	simm.s32 @!p1 $0x9  }
0x44: {  	_ =	swait.ge @!p1 [sflag:s2], $0x50  }
0x45: {  	[sflag:s2] =	ssyncset.done @!p1 $0x0  }
0x46: {  	s0 =	sadd.s32 @!p1 s7, s0;
	s12 =	simm.s32 @!p1 $0x13C40;
	[sflag:s2] =	ssyncadd.s32 @!p1 $0xFFFFFFB0  }
0x47: {  	[tilespmem:s12], [sflag:$0x9] =	stream.linear.gather @!p1 [hbm4b:s0+s10], $0x50, $0x38;
	[tilespmem:$0x1A180] =	vst v63  }
0x48: {  	_ =	swait.ge @!p1 [sflag:s2], $0x50  }
0x49: {  	[sflag:s2] =	ssyncset.done @!p1 $0x0  }
0x4a: {  	[sflag:s2] =	ssyncadd.s32 @!p1 $0xFFFFFFB0  }
0x4b: {  	_ =	swait.ge [sflag:s29], $0xA00  }
0x4c: {  	[sflag:s29] =	ssyncset.done $0x0  }
0x4d: {  	[sflag:s29] =	ssyncadd.s32 $0xFFFFF600  }
0x4e: {  	_ =	swait.ge [sflag:s30], $0xA00  }
0x4f: {  	[sflag:s30] =	ssyncset.done $0x0  }
0x50: {  	s18 =	simm.s32 $0x16580;
	s26 =	sor.u32 $0x1, s8;
	[sflag:s30] =	ssyncadd.s32 $0xFFFFF600  }
0x51: {  	s12 =	sand.u32 $0xF, s26;
	s0 =	smul.u32 $0x28, s26;
	_ =	swait.ge [sflag:s31], $0xA00  }
0x52: {  	s19 =	simm.s32 $0x40;
	s2 =	smul.u32 $0x28, s12;
	[sflag:s31] =	ssyncset.done $0x0  }
0x53: {  	s17 =	simm.s32 $0x15B80;
	s0 =	sadd.s32 s9, s0;
	[sflag:s31] =	ssyncadd.s32 $0xFFFFF600  }
0x54: {  	s0 =	sshll.u32 s0, $0x4;
	s14 =	sadd.s32 $0x13880, s2;
	s16 =	rddreg [dreg:$0x0]  }
0x55: {  	[tilespmem:s17], [sflag:$0x4] =	stream.indirect.gather [hbm4b:s16+s22], $0x40, s14, s22, $0xb8;
	[tilespmem:$0x1A180] =	vst v63  }
0x56: {  	s23 =	simm.s32 $0x80;
	s0 =	sand.u32 $0x1FFFFF80, s0;
	s16 =	sadd.s32 $0x13B00, s2  }
0x57: {  	[tilespmem:s18], [sflag:$0x5] =	stream.indirect.gather [hbm4b:s4+s22], $0x40, s16, s22, $0xb8;
	[tilespmem:$0x1A180] =	vst v63  }
0x58: {  	s24 =	simm.s32 $0x16F80;
	s25 =	simm.s32 $0x13DC0;
	s0 =	sadd.s32 s5, s0  }
0x59: {  	[tilespmem:s24], [sflag:$0x6] =	stream.strided.gather [hbm4b:s0+s19], $0xA00, s23, s19, $0x38;
	[tilespmem:$0x1A180] =	vst v63  }
0x5a: {  	s23 =	simm.s32 $0x147C0;
	v0 =	vld [tilespmem:s25+$0x0]  }
0x5b: {  	v1 =	vld [tilespmem:s23+$0x0]  }
0x5c: {  	s26 =	simm.s32 $0x151C0  }
0x5d: {  	v2 =	vld [tilespmem:s26+$0x0];
	_ =	sdelay $0x2  }
0x5e: {  	v3 =	vshll.u32 v0, $0x10;
	v4 =	vshll.u32 v1, $0x10  }
0x5f: {  	v0 =	vand.u32 $0xFFFF0000, v0;
	v1 =	vand.u32 $0xFFFF0000, v1;
	v3 =	vadd.f32 v4, v3  }
0x60: {  	v5 =	vshll.u32 v2, $0x10;
	v4 =	vld [tilespmem:s23+$0xFFFFFFC0];
	v0 =	vadd.f32 v1, v0  }
0x61: {  	v2 =	vand.u32 $0xFFFF0000, v2;
	v1 =	vld [tilespmem:s25+$0xFFFFFFC0];
	v3 =	vadd.f32 v5, v3  }
0x62: {  	v0 =	vadd.f32 v2, v0  }
0x63: {  	s17 =	simm.s32 $0x17A00;
	v2 =	vld [tilespmem:s26+$0xFFFFFFC0];
	v3 =	vmax.f32 v3, $0.0e+00  }
0x64: {  	v0 =	vmax.f32 v0, $0.0e+00;
	[tilespmem:s17+$0x0] =	vst v3  }
0x65: {  	[tilespmem:s17+$0x40] =	vst v0  }
0x66: {  	v0 =	vshll.u32 v1, $0x10;
	v3 =	vshll.u32 v4, $0x10;
	v5 =	vld [tilespmem:s25+$0x10]  }
0x67: {  	v1 =	vand.u32 $0xFFFF0000, v1;
	v4 =	vand.u32 $0xFFFF0000, v4;
	v0 =	vadd.f32 v3, v0;
	v3 =	vld [tilespmem:s23+$0x10]  }
0x68: {  	v1 =	vadd.f32 v4, v1;
	v6 =	vshll.u32 v2, $0x10  }
0x69: {  	v4 =	vld [tilespmem:s26+$0x10];
	v2 =	vand.u32 $0xFFFF0000, v2;
	v0 =	vadd.f32 v6, v0  }
0x6a: {  	v1 =	vadd.f32 v2, v1  }
0x6b: {  	v0 =	vmax.f32 v0, $0.0e+00  }
0x6c: {  	v1 =	vmax.f32 v1, $0.0e+00;
	v2 =	vshll.u32 v5, $0x10;
	v6 =	vshll.u32 v3, $0x10  }
0x6d: {  	[tilespmem:s17+$0xFFFFFF80] =	vst v0;
	v0 =	vand.u32 $0xFFFF0000, v5;
	v3 =	vand.u32 $0xFFFF0000, v3;
	v2 =	vadd.f32 v6, v2  }
0x6e: {  	[tilespmem:s17+$0xFFFFFFC0] =	vst v1;
	v1 =	vshll.u32 v4, $0x10;
	v0 =	vadd.f32 v3, v0  }
0x6f: {  	v4 =	vand.u32 $0xFFFF0000, v4;
	v3 =	vld [tilespmem:s25+$0xFFFFFFD0];
	v1 =	vadd.f32 v1, v2  }
0x70: {  	v2 =	vld [tilespmem:s23+$0xFFFFFFD0];
	v0 =	vadd.f32 v4, v0  }
0x71: {  	v1 =	vmax.f32 v1, $0.0e+00  }
0x72: {  	v0 =	vmax.f32 v0, $0.0e+00;
	[tilespmem:s17+$0x10] =	vst v1  }
0x73: {  	v4 =	vld [tilespmem:s26+$0xFFFFFFD0];
	[tilespmem:s17+$0x50] =	vst v0  }
0x74: {  	v0 =	vld [tilespmem:s25+$0x20]  }
0x75: {  	s12 =	simm.s32 $0x13E40;
	v1 =	vshll.u32 v3, $0x10;
	v6 =	vld [tilespmem:s23+$0x20];
	v5 =	vshll.u32 v2, $0x10  }
0x76: {  	s1 =	smov.u32 s28;
	s28 =	simm.s32 $0x14840;
	v3 =	vand.u32 $0xFFFF0000, v3;
	v2 =	vand.u32 $0xFFFF0000, v2;
	v1 =	vadd.f32 v5, v1;
	v5 =	vld [tilespmem:s12+$0x0]  }
0x77: {  	v2 =	vadd.f32 v2, v3;
	v3 =	vld [tilespmem:s28+$0x0]  }
0x78: {  	s24 =	simm.s32 $0x15240;
	v7 =	vshll.u32 v4, $0x10;
	v4 =	vand.u32 $0xFFFF0000, v4  }
0x79: {  	v2 =	vadd.f32 v4, v2;
	v4 =	vld [tilespmem:s24+$0x0]  }
0x7a: {  	v1 =	vadd.f32 v7, v1;
	v8 =	vshll.u32 v0, $0x10  }
0x7b: {  	v7 =	vld [tilespmem:s26+$0x20];
	v9 =	vshll.u32 v6, $0x10;
	v0 =	vand.u32 $0xFFFF0000, v0;
	v6 =	vand.u32 $0xFFFF0000, v6  }
0x7c: {  	v1 =	vmax.f32 v1, $0.0e+00;
	v10 =	vshll.u32 v5, $0x10;
	v11 =	vshll.u32 v3, $0x10  }
0x7d: {  	v5 =	vand.u32 $0xFFFF0000, v5;
	v3 =	vand.u32 $0xFFFF0000, v3;
	v10 =	vadd.f32 v11, v10  }
0x7e: {  	v2 =	vmax.f32 v2, $0.0e+00;
	v11 =	vld [tilespmem:s28+$0xFFFFFFC0];
	v3 =	vadd.f32 v3, v5;
	v12 =	vshll.u32 v4, $0x10  }
0x7f: {  	v5 =	vadd.f32 v9, v8;
	v8 =	vld [tilespmem:s12+$0xFFFFFFC0];
	v4 =	vand.u32 $0xFFFF0000, v4;
	v9 =	vadd.f32 v12, v10  }
0x80: {  	v0 =	vadd.f32 v6, v0;
	[tilespmem:s17+$0xFFFFFF90] =	vst v1;
	v1 =	vshll.u32 v7, $0x10;
	v3 =	vadd.f32 v4, v3  }
0x81: {  	s19 =	simm.s32 $0x17B00;
	[tilespmem:s17+$0xFFFFFFD0] =	vst v2;
	v2 =	vld [tilespmem:s24+$0xFFFFFFC0];
	v4 =	vand.u32 $0xFFFF0000, v7;
	v1 =	vadd.f32 v1, v5;
	v5 =	vmax.f32 v9, $0.0e+00  }
0x82: {  	v6 =	vld [tilespmem:s25+$0xFFFFFFE0];
	v0 =	vadd.f32 v4, v0;
	v3 =	vmax.f32 v3, $0.0e+00;
	[tilespmem:s19+$0x0] =	vst v5  }
0x83: {  	v4 =	vld [tilespmem:s23+$0xFFFFFFE0];
	v1 =	vmax.f32 v1, $0.0e+00;
	[tilespmem:s19+$0x40] =	vst v3  }
0x84: {  	[tilespmem:s17+$0x20] =	vst v1;
	v0 =	vmax.f32 v0, $0.0e+00;
	v1 =	vshll.u32 v8, $0x10;
	v3 =	vshll.u32 v11, $0x10;
	v5 =	vld [tilespmem:s12+$0x10]  }
0x85: {  	v7 =	vand.u32 $0xFFFF0000, v11;
	[tilespmem:s17+$0x60] =	vst v0;
	v0 =	vand.u32 $0xFFFF0000, v8;
	v1 =	vadd.f32 v3, v1;
	v3 =	vld [tilespmem:s28+$0x10]  }
0x86: {  	v9 =	vshll.u32 v2, $0x10;
	v11 =	vld [tilespmem:s26+$0xFFFFFFE0];
	v0 =	vadd.f32 v7, v0  }
0x87: {  	v2 =	vand.u32 $0xFFFF0000, v2;
	v7 =	vshll.u32 v6, $0x10;
	v1 =	vadd.f32 v9, v1;
	v9 =	vld [tilespmem:s24+$0x10]  }
0x88: {  	v8 =	vld [tilespmem:s25+$0x30];
	v0 =	vadd.f32 v2, v0;
	v2 =	vand.u32 $0xFFFF0000, v6;
	v6 =	vshll.u32 v4, $0x10  }
0x89: {  	v10 =	vld [tilespmem:s23+$0x30];
	v4 =	vand.u32 $0xFFFF0000, v4;
	v1 =	vmax.f32 v1, $0.0e+00;
	v6 =	vadd.f32 v6, v7  }
0x8a: {  	[tilespmem:s19+$0xFFFFFF80] =	vst v1;
	v0 =	vmax.f32 v0, $0.0e+00;
	v1 =	vshll.u32 v5, $0x10;
	v7 =	vshll.u32 v3, $0x10  }
0x8b: {  	v19 =	vld [tilespmem:s26+$0x30];
	v3 =	vand.u32 $0xFFFF0000, v3;
	[tilespmem:s19+$0xFFFFFFC0] =	vst v0;
	v0 =	vand.u32 $0xFFFF0000, v5;
	v1 =	vadd.f32 v7, v1  }
0x8c: {  	v20 =	vshll.u32 v11, $0x10;
	v7 =	vld [tilespmem:s12+$0xFFFFFFD0];
	v13 =	vshll.u32 v9, $0x10;
	v0 =	vadd.f32 v3, v0  }
0x8d: {  	v2 =	vadd.f32 v4, v2;
	v14 =	vld [tilespmem:s28+$0xFFFFFFD0];
	v9 =	vand.u32 $0xFFFF0000, v9;
	v1 =	vadd.f32 v13, v1  }
0x8e: {  	v5 =	vand.u32 $0xFFFF0000, v8;
	v3 =	vand.u32 $0xFFFF0000, v10;
	v0 =	vadd.f32 v9, v0  }
0x8f: {  	v4 =	vand.u32 $0xFFFF0000, v11;
	v3 =	vadd.f32 v3, v5;
	v5 =	vld [tilespmem:s24+$0xFFFFFFD0];
	v1 =	vmax.f32 v1, $0.0e+00  }
0x90: {  	s2 =	simm.s32 $0x13EC0;
	v6 =	vadd.f32 v20, v6;
	v9 =	vand.u32 $0xFFFF0000, v19;
	[tilespmem:s19+$0x10] =	vst v1;
	v0 =	vmax.f32 v0, $0.0e+00  }
0x91: {  	v22 =	vld [tilespmem:s2+$0xFFFFFFC0];
	v1 =	vadd.f32 v4, v2;
	v2 =	vadd.f32 v9, v3;
	v3 =	vshll.u32 v7, $0x10;
	[tilespmem:s19+$0x50] =	vst v0  }
0x92: {  	v0 =	vand.u32 $0xFFFF0000, v7;
	v4 =	vshll.u32 v14, $0x10;
	v7 =	vand.u32 $0xFFFF0000, v14;
	v9 =	vld [tilespmem:s12+$0x20]  }
0x93: {  	v6 =	vmax.f32 v6, $0.0e+00;
	v3 =	vadd.f32 v4, v3;
	v0 =	vadd.f32 v7, v0;
	v4 =	vld [tilespmem:s28+$0x20]  }
0x94: {  	[tilespmem:s17+$0xFFFFFFA0] =	vst v6;
	v7 =	vshll.u32 v5, $0x10;
	v5 =	vand.u32 $0xFFFF0000, v5;
	v11 =	vld [tilespmem:s24+$0x20];
	v1 =	vmax.f32 v1, $0.0e+00  }
0x95: {  	[tilespmem:s17+$0xFFFFFFE0] =	vst v1;
	v3 =	vadd.f32 v7, v3;
	v0 =	vadd.f32 v5, v0;
	v5 =	vld [tilespmem:s2+$0x0]  }
0x96: {  	s14 =	simm.s32 $0x148C0;
	v23 =	vshll.u32 v22, $0x10;
	v7 =	vshll.u32 v8, $0x10;
	v8 =	vshll.u32 v10, $0x10;
	v21 =	vld [tilespmem:s25+$0xFFFFFFF0]  }
0x97: {  	s18 =	simm.s32 $0x152C0;
	v2 =	vmax.f32 v2, $0.0e+00;
	v10 =	vld [tilespmem:s14+$0x0];
	v6 =	vadd.f32 v8, v7;
	v3 =	vmax.f32 v3, $0.0e+00  }
0x98: {  	s25 =	simm.s32 $0x14940;
	v8 =	vld [tilespmem:s18+$0x0];
	v0 =	vmax.f32 v0, $0.0e+00;
	v1 =	vshll.u32 v9, $0x10;
	v7 =	vshll.u32 v4, $0x10  }
0x99: {  	v37 =	vld [tilespmem:s25+$0x0];
	v9 =	vand.u32 $0xFFFF0000, v9;
	v4 =	vand.u32 $0xFFFF0000, v4;
	v1 =	vadd.f32 v7, v1  }
0x9a: {  	v7 =	vshll.u32 v11, $0x10;
	v4 =	vadd.f32 v4, v9;
	v11 =	vand.u32 $0xFFFF0000, v11  }
0x9b: {  	[tilespmem:s19+$0xFFFFFF90] =	vst v3;
	v3 =	vld [tilespmem:s14+$0xFFFFFFC0];
	v9 =	vshll.u32 v5, $0x10;
	v5 =	vand.u32 $0xFFFF0000, v5;
	v13 =	vand.u32 $0xFFFF0000, v21  }
0x9c: {  	v30 =	vld [tilespmem:s23+$0xFFFFFFF0];
	s23 =	simm.s32 $0x13F40;
	v1 =	vadd.f32 v7, v1;
	v7 =	vshll.u32 v10, $0x10;
	v4 =	vadd.f32 v11, v4  }
0x9d: {  	v36 =	vld [tilespmem:s23+$0x0];
	v10 =	vand.u32 $0xFFFF0000, v10;
	v11 =	vshll.u32 v8, $0x10;
	v7 =	vadd.f32 v7, v9  }
0x9e: {  	[tilespmem:s19+$0xFFFFFFD0] =	vst v0;
	v0 =	vld [tilespmem:s18+$0xFFFFFFC0];
	v41 =	vshll.u32 v37, $0x10;
	v5 =	vadd.f32 v10, v5;
	v1 =	vmax.f32 v1, $0.0e+00  }
0x9f: {  	v9 =	vld [tilespmem:s12+$0xFFFFFFE0];
	[tilespmem:s19+$0x20] =	vst v1;
	v1 =	vmax.f32 v4, $0.0e+00;
	v4 =	vand.u32 $0xFFFF0000, v8;
	v7 =	vadd.f32 v11, v7  }
0xa0: {  	v42 =	vand.u32 $0xFFFF0000, v37;
	v10 =	vld [tilespmem:s28+$0xFFFFFFE0];
	v15 =	vand.u32 $0xFFFF0000, v3;
	[tilespmem:s19+$0x60] =	vst v1;
	v1 =	vadd.f32 v4, v5  }
0xa1: {  	s10 =	simm.s32 $0x17C00;
	v8 =	vshll.u32 v19, $0x10;
	v11 =	vld [tilespmem:s24+$0xFFFFFFE0];
	v5 =	vshll.u32 v3, $0x10;
	v7 =	vmax.f32 v7, $0.0e+00  }
0xa2: {  	v4 =	vand.u32 $0xFFFF0000, v22;
	v24 =	vld [tilespmem:s12+$0x30];
	v5 =	vadd.f32 v5, v23;
	[tilespmem:s10+$0x0] =	vst v7;
	v1 =	vmax.f32 v1, $0.0e+00  }
0xa3: {  	v3 =	vadd.f32 v8, v6;
	v6 =	vshll.u32 v0, $0x10;
	v25 =	vld [tilespmem:s28+$0x30];
	v4 =	vadd.f32 v15, v4;
	[tilespmem:s10+$0x40] =	vst v1  }
0xa4: {  	v19 =	vshll.u32 v36, $0x10;
	v0 =	vand.u32 $0xFFFF0000, v0;
	v5 =	vadd.f32 v6, v5;
	v6 =	vld [tilespmem:s2+$0x10]  }
0xa5: {  	v8 =	vshll.u32 v9, $0x10;
	v0 =	vadd.f32 v0, v4;
	v4 =	vand.u32 $0xFFFF0000, v9;
	v9 =	vld [tilespmem:s14+$0x10]  }
0xa6: {  	v26 =	vshll.u32 v10, $0x10;
	v10 =	vand.u32 $0xFFFF0000, v10;
	v1 =	vld [tilespmem:s24+$0x30];
	v5 =	vmax.f32 v5, $0.0e+00  }
0xa7: {  	v8 =	vadd.f32 v26, v8;
	v27 =	vld [tilespmem:s18+$0x10];
	v4 =	vadd.f32 v10, v4;
	v0 =	vmax.f32 v0, $0.0e+00;
	[tilespmem:s10+$0xFFFFFF80] =	vst v5  }
0xa8: {  	v5 =	vand.u32 $0xFFFF0000, v24;
	v16 =	vand.u32 $0xFFFF0000, v25;
	[tilespmem:s10+$0xFFFFFFC0] =	vst v0;
	v0 =	vshll.u32 v11, $0x10  }
0xa9: {  	v11 =	vand.u32 $0xFFFF0000, v11;
	v5 =	vadd.f32 v16, v5;
	v0 =	vadd.f32 v0, v8  }
0xaa: {  	v10 =	vld [tilespmem:s2+$0xFFFFFFD0];
	v4 =	vadd.f32 v11, v4;
	v17 =	vshll.u32 v6, $0x10;
	v18 =	vshll.u32 v9, $0x10  }
0xab: {  	v28 =	vld [tilespmem:s14+$0xFFFFFFD0];
	v6 =	vand.u32 $0xFFFF0000, v6;
	v9 =	vand.u32 $0xFFFF0000, v9;
	v17 =	vadd.f32 v18, v17  }
0xac: {  	v8 =	vand.u32 $0xFFFF0000, v1;
	v29 =	vshll.u32 v27, $0x10;
	v6 =	vadd.f32 v9, v6  }
0xad: {  	v11 =	vld [tilespmem:s18+$0xFFFFFFD0];
	v5 =	vadd.f32 v8, v5;
	v8 =	vand.u32 $0xFFFF0000, v27;
	v9 =	vadd.f32 v29, v17  }
0xae: {  	v14 =	vshll.u32 v24, $0x10;
	v12 =	vshll.u32 v25, $0x10;
	v6 =	vadd.f32 v8, v6  }
0xaf: {  	v15 =	vand.u32 $0xFFFF0000, v30;
	v12 =	vadd.f32 v12, v14;
	v9 =	vmax.f32 v9, $0.0e+00  }
0xb0: {  	v8 =	vand.u32 $0xFFFF0000, v10;
	v16 =	vand.u32 $0xFFFF0000, v28;
	v6 =	vmax.f32 v6, $0.0e+00;
	[tilespmem:s10+$0x10] =	vst v9  }
0xb1: {  	v31 =	vshll.u32 v10, $0x10;
	v10 =	vshll.u32 v28, $0x10;
	v8 =	vadd.f32 v16, v8;
	v9 =	vld [tilespmem:s26+$0xFFFFFFF0];
	[tilespmem:s10+$0x50] =	vst v6  }
0xb2: {  	v32 =	vshll.u32 v11, $0x10;
	v6 =	vmax.f32 v0, $0.0e+00;
	v0 =	vand.u32 $0xFFFF0000, v11;
	v11 =	vld [tilespmem:s2+$0x20]  }
0xb3: {  	v7 =	vshll.u32 v21, $0x10;
	v10 =	vadd.f32 v10, v31;
	v0 =	vadd.f32 v0, v8;
	v33 =	vld [tilespmem:s14+$0x20]  }
0xb4: {  	v1 =	vshll.u32 v1, $0x10;
	v4 =	vmax.f32 v4, $0.0e+00;
	v8 =	vshll.u32 v30, $0x10  }
0xb5: {  	v10 =	vadd.f32 v32, v10;
	v34 =	vmax.f32 v0, $0.0e+00;
	v0 =	vadd.f32 v8, v7;
	v7 =	vld [tilespmem:s18+$0x20]  }
0xb6: {  	v1 =	vadd.f32 v1, v12;
	v8 =	vadd.f32 v15, v13;
	v35 =	vshll.u32 v9, $0x10  }
0xb7: {  	s26 =	simm.s32 $0x15340;
	v10 =	vmax.f32 v10, $0.0e+00;
	v9 =	vand.u32 $0xFFFF0000, v9;
	v13 =	vadd.f32 v35, v0  }
0xb8: {  	v38 =	vld [tilespmem:s26+$0x0];
	[tilespmem:s10+$0xFFFFFF90] =	vst v10;
	v0 =	vadd.f32 v9, v8;
	v8 =	vshll.u32 v11, $0x10;
	v9 =	vshll.u32 v33, $0x10  }
0xb9: {  	v40 =	vld [tilespmem:s25+$0xFFFFFFC0];
	[tilespmem:s10+$0xFFFFFFD0] =	vst v34;
	v11 =	vand.u32 $0xFFFF0000, v11;
	v16 =	vand.u32 $0xFFFF0000, v33;
	v8 =	vadd.f32 v9, v8  }
0xba: {  	v12 =	vadd.f32 v41, v19;
	v43 =	vld [tilespmem:s2+$0xFFFFFFE0];
	v11 =	vadd.f32 v16, v11;
	v39 =	vshll.u32 v7, $0x10  }
0xbb: {  	v10 =	vand.u32 $0xFFFF0000, v36;
	v9 =	vld [tilespmem:s23+$0xFFFFFFC0];
	v7 =	vand.u32 $0xFFFF0000, v7;
	v8 =	vadd.f32 v39, v8  }
0xbc: {  	v5 =	vmax.f32 v5, $0.0e+00;
	v10 =	vadd.f32 v42, v10;
	v45 =	vld [tilespmem:s14+$0xFFFFFFE0];
	v7 =	vadd.f32 v7, v11  }
0xbd: {  	v44 =	vshll.u32 v38, $0x10;
	v18 =	vand.u32 $0xFFFF0000, v38;
	v11 =	vld [tilespmem:s26+$0xFFFFFFC0];
	v8 =	vmax.f32 v8, $0.0e+00  }
0xbe: {  	v12 =	vadd.f32 v44, v12;
	v10 =	vadd.f32 v18, v10;
	v7 =	vmax.f32 v7, $0.0e+00;
	[tilespmem:s10+$0x20] =	vst v8  }
0xbf: {  	v16 =	vand.u32 $0xFFFF0000, v40;
	v50 =	vshll.u32 v43, $0x10;
	v15 =	vand.u32 $0xFFFF0000, v43;
	[tilespmem:s10+$0x60] =	vst v7  }
0xc0: {  	v8 =	vshll.u32 v9, $0x10;
	v7 =	vand.u32 $0xFFFF0000, v9;
	v9 =	vshll.u32 v40, $0x10;
	v47 =	vld [tilespmem:s2+$0x30]  }
0xc1: {  	s0 =	simm.s32 $0x17D00;
	v14 =	vand.u32 $0xFFFF0000, v45;
	v8 =	vadd.f32 v9, v8;
	v9 =	vmax.f32 v12, $0.0e+00;
	v48 =	vld [tilespmem:s14+$0x30]  }
0xc2: {  	v46 =	vld [tilespmem:s18+$0xFFFFFFE0];
	v7 =	vadd.f32 v16, v7;
	v49 =	vshll.u32 v11, $0x10;
	[tilespmem:s0+$0x0] =	vst v9;
	v9 =	vmax.f32 v10, $0.0e+00  }
0xc3: {  	v10 =	vmax.f32 v3, $0.0e+00;
	v11 =	vand.u32 $0xFFFF0000, v11;
	v3 =	vld [tilespmem:s18+$0x30];
	v8 =	vadd.f32 v49, v8;
	[tilespmem:s0+$0x40] =	vst v9  }
0xc4: {  	v51 =	vshll.u32 v45, $0x10;
	v14 =	vadd.f32 v14, v15;
	v7 =	vadd.f32 v11, v7;
	v11 =	vld [tilespmem:s23+$0x10]  }
0xc5: {  	v9 =	vmax.f32 v13, $0.0e+00;
	v13 =	vadd.f32 v51, v50;
	v52 =	vld [tilespmem:s25+$0x10];
	v8 =	vmax.f32 v8, $0.0e+00  }
0xc6: {  	v7 =	vmax.f32 v7, $0.0e+00;
	[tilespmem:s0+$0xFFFFFF80] =	vst v8;
	v8 =	vand.u32 $0xFFFF0000, v47;
	v53 =	vand.u32 $0xFFFF0000, v48  }
0xc7: {  	v54 =	vshll.u32 v46, $0x10;
	v17 =	vand.u32 $0xFFFF0000, v46;
	[tilespmem:s0+$0xFFFFFFC0] =	vst v7;
	v7 =	vld [tilespmem:s26+$0x10];
	v8 =	vadd.f32 v53, v8  }
0xc8: {  	[tilespmem:s17+$0x70] =	vst v2;
	v14 =	vadd.f32 v17, v14;
	v2 =	vadd.f32 v54, v13;
	v55 =	vld [tilespmem:s23+$0xFFFFFFD0];
	v56 =	vand.u32 $0xFFFF0000, v3  }
0xc9: {  	[tilespmem:s19+$0x70] =	vst v5;
	v12 =	vshll.u32 v48, $0x10;
	v57 =	vld [tilespmem:s25+$0xFFFFFFD0];
	v5 =	vadd.f32 v56, v8;
	v8 =	vshll.u32 v11, $0x10  }
0xca: {  	[tilespmem:s19+$0xFFFFFFE0] =	vst v4;
	v58 =	vshll.u32 v52, $0x10;
	v11 =	vand.u32 $0xFFFF0000, v11;
	v59 =	vand.u32 $0xFFFF0000, v52  }
0xcb: {  	[tilespmem:s19+$0xFFFFFFA0] =	vst v6;
	v6 =	vld [tilespmem:s26+$0xFFFFFFD0];
	v2 =	vmax.f32 v2, $0.0e+00;
	v8 =	vadd.f32 v58, v8;
	v11 =	vadd.f32 v59, v11  }
0xcc: {  	v60 =	vld [tilespmem:s12+$0xFFFFFFF0];
	[tilespmem:s17+$0x30] =	vst v10;
	v4 =	vmax.f32 v5, $0.0e+00;
	v5 =	vshll.u32 v7, $0x10;
	v7 =	vand.u32 $0xFFFF0000, v7  }
0xcd: {  	[tilespmem:s17+$0xFFFFFFB0] =	vst v9;
	v9 =	vshll.u32 v55, $0x10;
	v5 =	vadd.f32 v5, v8;
	v8 =	vand.u32 $0xFFFF0000, v55  }
0xce: {  	v10 =	vld [tilespmem:s28+$0xFFFFFFF0];
	v61 =	vshll.u32 v57, $0x10;
	[tilespmem:s10+$0x70] =	vst v4;
	v4 =	vadd.f32 v7, v11;
	v7 =	vand.u32 $0xFFFF0000, v57  }
0xcf: {  	[tilespmem:s10+$0xFFFFFFA0] =	vst v2;
	v11 =	vshll.u32 v47, $0x10;
	v9 =	vadd.f32 v61, v9;
	v2 =	vmax.f32 v5, $0.0e+00  }
0xd0: {  	v62 =	vld [tilespmem:s24+$0xFFFFFFF0];
	v7 =	vadd.f32 v7, v8;
	v5 =	vshll.u32 v6, $0x10;
	[tilespmem:s0+$0x10] =	vst v2;
	v2 =	vmax.f32 v4, $0.0e+00  }
0xd1: {  	v8 =	vshll.u32 v60, $0x10;
	v4 =	vand.u32 $0xFFFF0000, v6;
	v6 =	vadd.f32 v5, v9;
	[tilespmem:s0+$0x50] =	vst v2  }
0xd2: {  	v9 =	vand.u32 $0xFFFF0000, v60;
	v2 =	vmax.f32 v14, $0.0e+00;
	v4 =	vadd.f32 v4, v7;
	v5 =	vld [tilespmem:s23+$0x20]  }
0xd3: {  	v7 =	vshll.u32 v10, $0x10;
	v10 =	vand.u32 $0xFFFF0000, v10;
	[tilespmem:s10+$0xFFFFFFE0] =	vst v2;
	v2 =	vmax.f32 v6, $0.0e+00;
	v6 =	vld [tilespmem:s25+$0x20]  }
0xd4: {  	s12 =	simm.s32 $0x14940;
	v7 =	vadd.f32 v7, v8;
	[tilespmem:s0+$0xFFFFFF90] =	vst v2;
	v63 =	vmax.f32 v4, $0.0e+00;
	v2 =	vld [tilespmem:s2+$0xFFFFFFF0];
	v4 =	vadd.f32 v10, v9  }
0xd5: {  	s24 =	simm.s32 $0x6;
	s28 =	simm.s32 $0x13FC0;
	v8 =	vadd.f32 v12, v11;
	v11 =	vshll.u32 v62, $0x10;
	v9 =	vld [tilespmem:s26+$0x20];
	v10 =	vand.u32 $0xFFFF0000, v62;
	s2 =	simm.s32 $0x15340;
	[tilespmem:s0+$0xFFFFFFD0] =	vst v63  }
.LBB2_3:
0xd6: {  	v12 =	vld [tilespmem:s28+$0x0];
	s25 =	sadd.s32 $0x80, s25;
	v3 =	vshll.u32 v3, $0x10;
	v7 =	vadd.f32 v11, v7;
	v4 =	vadd.f32 v10, v4  }
0xd7: {  	v11 =	vmax.f32 v1, $0.0e+00;
	v14 =	vmax.f32 v0, $0.0e+00;
	v10 =	vld [tilespmem:s25+$0x0];
	v1 =	vadd.f32 v3, v8  }
0xd8: {  	s26 =	sadd.s32 $0x80, s26;
	v8 =	vshll.u32 v5, $0x10;
	v3 =	vld [tilespmem:s25+$0xFFFFFFC0];
	v13 =	vshll.u32 v6, $0x10;
	v7 =	vmax.f32 v7, $0.0e+00;
	[tilespmem:s17+$0xFFFFFFF0] =	vst v14;
	v0 =	vmovc v4;
	s17 =	smov.u32 s19;
	s19 =	smov.u32 s10  }
0xd9: {  	v4 =	vand.u32 $0xFFFF0000, v5;
	v5 =	vand.u32 $0xFFFF0000, v6;
	s10 =	smov.u32 s0;
	v14 =	vld [tilespmem:s26+$0x0];
	v6 =	vadd.f32 v13, v8;
	[tilespmem:s17+$0xFFFFFFB0] =	vst v7  }
0xda: {  	v5 =	vadd.f32 v5, v4;
	v4 =	vshll.u32 v2, $0x10;
	v7 =	vld [tilespmem:s28+$0xFFFFFFC0];
	v8 =	vshll.u32 v9, $0x10;
	[tilespmem:s17+$0x30] =	vst v11  }
0xdb: {  	v9 =	vand.u32 $0xFFFF0000, v9;
	v11 =	vld [tilespmem:s26+$0xFFFFFFC0];
	v13 =	vshll.u32 v12, $0x10;
	v6 =	vadd.f32 v8, v6  }
0xdc: {  	v8 =	vand.u32 $0xFFFF0000, v12;
	v5 =	vadd.f32 v9, v5;
	v12 =	vshll.u32 v10, $0x10;
	v15 =	vld [tilespmem:s23+$0xFFFFFFE0]  }
0xdd: {  	s24 =	sadd.s32 $0x2, s24;
	v9 =	vand.u32 $0xFFFF0000, v10;
	v10 =	vadd.f32 v12, v13;
	v12 =	vld [tilespmem:s12+$0xFFFFFFE0];
	v6 =	vmax.f32 v6, $0.0e+00  }
0xde: {  	p1 =	slt.u32 s24, $0x26;
	v8 =	vadd.f32 v9, v8;
	v5 =	vmax.f32 v5, $0.0e+00;
	v13 =	vshll.u32 v14, $0x10;
	v9 =	vld [tilespmem:s2+$0xFFFFFFE0];
	[tilespmem:s0+$0x20] =	vst v6  }
0xdf: {  	v14 =	vand.u32 $0xFFFF0000, v14;
	v6 =	vshll.u32 v7, $0x10;
	v10 =	vadd.f32 v13, v10;
	[tilespmem:s0+$0x60] =	vst v5;
	v13 =	vld [tilespmem:s14+$0xFFFFFFF0];
	s14 =	smov.u32 s12;
	s12 =	smov.u32 s25  }
0xe0: {  	v5 =	vand.u32 $0xFFFF0000, v7;
	v7 =	vshll.u32 v3, $0x10;
	v8 =	vadd.f32 v14, v8;
	v14 =	vld [tilespmem:s23+$0x30]  }
0xe1: {  	v3 =	vand.u32 $0xFFFF0000, v3;
	s0 =	sadd.s32 $0x100, s0;
	v6 =	vadd.f32 v7, v6;
	v7 =	vmax.f32 v10, $0.0e+00;
	v10 =	vld [tilespmem:s14+$0x30]  }
0xe2: {  	v16 =	vshll.u32 v11, $0x10;
	v5 =	vadd.f32 v3, v5;
	v3 =	vmax.f32 v8, $0.0e+00;
	[tilespmem:s0+$0x0] =	vst v7;
	v17 =	vld [tilespmem:s18+$0xFFFFFFF0];
	s18 =	smov.u32 s2;
	s2 =	smov.u32 s26  }
0xe3: {  	v8 =	vshll.u32 v15, $0x10;
	v7 =	vand.u32 $0xFFFF0000, v11;
	v6 =	vadd.f32 v16, v6;
	[tilespmem:s0+$0x40] =	vst v3;
	v3 =	vld [tilespmem:s18+$0x30]  }
0xe4: {  	v11 =	vand.u32 $0xFFFF0000, v15;
	v15 =	vshll.u32 v12, $0x10;
	v5 =	vadd.f32 v7, v5;
	v7 =	vld [tilespmem:s28+$0x10]  }
0xe5: {  	v12 =	vand.u32 $0xFFFF0000, v12;
	v8 =	vadd.f32 v15, v8;
	v6 =	vmax.f32 v6, $0.0e+00;
	v16 =	vld [tilespmem:s25+$0x10]  }
0xe6: {  	v5 =	vmax.f32 v5, $0.0e+00;
	[tilespmem:s0+$0xFFFFFF80] =	vst v6;
	v6 =	vand.u32 $0xFFFF0000, v14;
	v15 =	vand.u32 $0xFFFF0000, v10  }
0xe7: {  	v18 =	vshll.u32 v9, $0x10;
	v11 =	vadd.f32 v12, v11;
	[tilespmem:s0+$0xFFFFFFC0] =	vst v5;
	v5 =	vld [tilespmem:s26+$0x10];
	v6 =	vadd.f32 v15, v6  }
0xe8: {  	v9 =	vand.u32 $0xFFFF0000, v9;
	v8 =	vadd.f32 v18, v8;
	v12 =	vld [tilespmem:s28+$0xFFFFFFD0];
	v15 =	vand.u32 $0xFFFF0000, v3  }
0xe9: {  	v9 =	vadd.f32 v9, v11;
	v11 =	vand.u32 $0xFFFF0000, v2;
	v18 =	vld [tilespmem:s25+$0xFFFFFFD0];
	v6 =	vadd.f32 v15, v6  }
0xea: {  	v15 =	vshll.u32 v7, $0x10;
	v7 =	vand.u32 $0xFFFF0000, v7;
	v2 =	vld [tilespmem:s26+$0xFFFFFFD0];
	v19 =	vshll.u32 v16, $0x10  }
0xeb: {  	v16 =	vand.u32 $0xFFFF0000, v16;
	v15 =	vadd.f32 v19, v15;
	v6 =	vmax.f32 v6, $0.0e+00  }
0xec: {  	v8 =	vmax.f32 v8, $0.0e+00;
	v7 =	vadd.f32 v16, v7;
	v19 =	vshll.u32 v5, $0x10;
	[tilespmem:s10+$0x70] =	vst v6  }
0xed: {  	v5 =	vand.u32 $0xFFFF0000, v5;
	v6 =	vshll.u32 v12, $0x10;
	v15 =	vadd.f32 v19, v15;
	[tilespmem:s10+$0xFFFFFFA0] =	vst v8  }
0xee: {  	v8 =	vand.u32 $0xFFFF0000, v12;
	v5 =	vadd.f32 v5, v7;
	v12 =	vshll.u32 v18, $0x10  }
0xef: {  	v7 =	vand.u32 $0xFFFF0000, v18;
	v6 =	vadd.f32 v12, v6;
	v12 =	vmax.f32 v15, $0.0e+00  }
0xf0: {  	v15 =	vshll.u32 v2, $0x10;
	v7 =	vadd.f32 v7, v8;
	v5 =	vmax.f32 v5, $0.0e+00;
	[tilespmem:s0+$0x10] =	vst v12  }
.Ltmp0:
0xf1: {  	v2 =	vand.u32 $0xFFFF0000, v2;
	v8 =	vmax.f32 v9, $0.0e+00;
	v6 =	vadd.f32 v15, v6;
	[tilespmem:s0+$0x50] =	vst v5;
	(pc) =	sbr.rel @p1 .LBB2_3-.Ltmp0, $4  }
0xf2: {  	v2 =	vadd.f32 v2, v7;
	v7 =	vshll.u32 v13, $0x10;
	v5 =	vld [tilespmem:s28+$0x20];
	[tilespmem:s10+$0xFFFFFFE0] =	vst v8;
	v8 =	vand.u32 $0xFFFF0000, v13  }
0xf3: {  	v10 =	vshll.u32 v10, $0x10;
	v12 =	vshll.u32 v14, $0x10;
	v9 =	vmax.f32 v6, $0.0e+00;
	v6 =	vld [tilespmem:s25+$0x20]  }
0xf4: {  	v7 =	vadd.f32 v7, v4;
	v4 =	vadd.f32 v8, v11;
	[tilespmem:s0+$0xFFFFFF90] =	vst v9;
	v9 =	vmax.f32 v2, $0.0e+00;
	v2 =	vld [tilespmem:s23+$0xFFFFFFF0];
	s23 =	smov.u32 s28  }
0xf5: {  	v8 =	vadd.f32 v10, v12;
	v11 =	vshll.u32 v17, $0x10;
	v10 =	vand.u32 $0xFFFF0000, v17;
	s28 =	sadd.s32 $0x80, s28;
	[tilespmem:s0+$0xFFFFFFD0] =	vst v9;
	v9 =	vld [tilespmem:s26+$0x20]  }
0xf6: {  	_ =	sdelay $0x1  }
0xf7: {  	v12 =	vshll.u32 v5, $0x10;
	v13 =	vshll.u32 v6, $0x10  }
0xf8: {  	v5 =	vand.u32 $0xFFFF0000, v5;
	v6 =	vand.u32 $0xFFFF0000, v6;
	v12 =	vadd.f32 v13, v12  }
0xf9: {  	v5 =	vadd.f32 v6, v5;
	v47 =	vshll.u32 v9, $0x10  }
0xfa: {  	v48 =	vld [tilespmem:s23+$0xFFFFFFE0];
	v6 =	vand.u32 $0xFFFF0000, v9;
	v9 =	vadd.f32 v47, v12  }
0xfb: {  	v5 =	vadd.f32 v6, v5;
	v6 =	vld [tilespmem:s12+$0xFFFFFFE0]  }
0xfc: {  	v9 =	vmax.f32 v9, $0.0e+00  }
0xfd: {  	v49 =	vld [tilespmem:s2+$0xFFFFFFE0];
	v5 =	vmax.f32 v5, $0.0e+00;
	[tilespmem:s0+$0x20] =	vst v9  }
0xfe: {  	[tilespmem:s0+$0x60] =	vst v5  }
0xff: {  	v5 =	vld [tilespmem:s23+$0x30]  }
0x100: {  	v3 =	vshll.u32 v3, $0x10;
	v14 =	vshll.u32 v48, $0x10;
	v9 =	vld [tilespmem:s12+$0x30];
	v15 =	vshll.u32 v6, $0x10  }
0x101: {  	v12 =	vand.u32 $0xFFFF0000, v48;
	v6 =	vand.u32 $0xFFFF0000, v6;
	v14 =	vadd.f32 v15, v14  }
0x102: {  	v7 =	vadd.f32 v11, v7;
	v16 =	vshll.u32 v49, $0x10;
	v50 =	vld [tilespmem:s2+$0x30];
	v6 =	vadd.f32 v6, v12  }
0x103: {  	v53 =	vld [tilespmem:s14+$0xFFFFFFF0];
	v4 =	vadd.f32 v10, v4;
	v51 =	vand.u32 $0xFFFF0000, v49;
	v52 =	vadd.f32 v16, v14  }
0x104: {  	v3 =	vadd.f32 v3, v8;
	v8 =	vld [tilespmem:s18+$0xFFFFFFF0];
	v6 =	vadd.f32 v51, v6  }
0x105: {  	v54 =	vand.u32 $0xFFFF0000, v5;
	v55 =	vand.u32 $0xFFFF0000, v9;
	v13 =	vmax.f32 v52, $0.0e+00  }
0x106: {  	v1 =	vmax.f32 v1, $0.0e+00;
	v11 =	vadd.f32 v55, v54;
	v6 =	vmax.f32 v6, $0.0e+00;
	[tilespmem:s0+$0xFFFFFFA0] =	vst v13  }
0x107: {  	v0 =	vmax.f32 v0, $0.0e+00;
	v7 =	vmax.f32 v7, $0.0e+00;
	v10 =	vand.u32 $0xFFFF0000, v50;
	[tilespmem:s0+$0xFFFFFFE0] =	vst v6  }
0x108: {  	v4 =	vmax.f32 v4, $0.0e+00;
	v3 =	vmax.f32 v3, $0.0e+00;
	v6 =	vadd.f32 v10, v11;
	v10 =	vld [tilespmem:s23+$0xFFFFFFF0]  }
0x109: {  	[tilespmem:s19+$0xFFFFFFB0] =	vst v7;
	v56 =	vshll.u32 v53, $0x10;
	v7 =	vand.u32 $0xFFFF0000, v8;
	v12 =	vand.u32 $0xFFFF0000, v53;
	v13 =	vld [tilespmem:s12+$0xFFFFFFF0]  }
0x10a: {  	v5 =	vshll.u32 v5, $0x10;
	v11 =	vshll.u32 v2, $0x10;
	v2 =	vand.u32 $0xFFFF0000, v2  }
0x10b: {  	[tilespmem:s17+$0xFFFFFFF0] =	vst v0;
	v9 =	vshll.u32 v9, $0x10;
	v57 =	vld [tilespmem:s2+$0xFFFFFFF0];
	v11 =	vadd.f32 v56, v11;
	v0 =	vadd.f32 v12, v2  }
0x10c: {  	v2 =	vadd.f32 v9, v5;
	v5 =	vshll.u32 v8, $0x10;
	v8 =	vshll.u32 v50, $0x10  }
0x10d: {  	[tilespmem:s19+$0x30] =	vst v1;
	v6 =	vmax.f32 v6, $0.0e+00;
	v5 =	vadd.f32 v5, v11;
	v0 =	vadd.f32 v7, v0  }
0x10e: {  	[tilespmem:s19+$0xFFFFFFF0] =	vst v4;
	v2 =	vadd.f32 v8, v2;
	v1 =	vshll.u32 v10, $0x10;
	v7 =	vshll.u32 v13, $0x10  }
0x10f: {  	[tilespmem:s0+$0x70] =	vst v6;
	v4 =	vand.u32 $0xFFFF0000, v10;
	v6 =	vand.u32 $0xFFFF0000, v13;
	v1 =	vadd.f32 v7, v1  }
0x110: {  	p1 =	seq.s32 s15, $0x7C;
	[tilespmem:s10+$0x30] =	vst v3;
	v5 =	vmax.f32 v5, $0.0e+00;
	v7 =	vshll.u32 v57, $0x10;
	v4 =	vadd.f32 v6, v4  }
0x111: {  	s2 =	sadd.s32 @!p1 $0x2, s8;
	v3 =	vand.u32 $0xFFFF0000, v57;
	v0 =	vmax.f32 v0, $0.0e+00;
	[tilespmem:s10+$0xFFFFFFB0] =	vst v5;
	v1 =	vadd.f32 v7, v1  }
0x112: {  	[tilespmem:s10+$0xFFFFFFF0] =	vst v0;
	s10 =	sand.u32 @!p1 $0xE, s2;
	v0 =	vmax.f32 v2, $0.0e+00;
	v3 =	vadd.f32 v3, v4  }
0x113: {  	s10 =	smul.u32 @!p1 $0x28, s10;
	[tilespmem:s0+$0x30] =	vst v0;
	v1 =	vmax.f32 v1, $0.0e+00  }
0x114: {  	s14 =	simm.s32 @!p1 $0x13D80;
	s17 =	rddreg [dreg:$0x0];
	v0 =	vmax.f32 v3, $0.0e+00;
	[tilespmem:s0+$0xFFFFFFB0] =	vst v1  }
0x115: {  	s12 =	simm.s32 @!p1 $0x28;
	s23 =	sand.u32 $0xE, s8;
	[tilespmem:s0+$0xFFFFFFF0] =	vst v0;
	s0 =	sadd.s32 @!p1 $0x13880, s10  }
0x116: {  	[tilespmem:s14], [sflag:$0x1] =	stream.indirect.gather @!p1 [hbm4b:s17+s12], $0x40, s0, s12, $0xb8;
	[tilespmem:$0x1A180] =	vst v63  }
0x117: {  	s2 =	smul.u32 @!p1 $0x28, s2;
	s0 =	sadd.s32 @!p1 $0x13B00, s10;
	s10 =	simm.s32 @!p1 $0x14780  }
0x118: {  	[tilespmem:s10], [sflag:$0x2] =	stream.indirect.gather @!p1 [hbm4b:s4+s12], $0x40, s0, s12, $0xb8;
	[tilespmem:$0x1A180] =	vst v63  }
0x119: {  	s8 =	smul.u32 $0xA0, s23;
	s0 =	sadd.s32 @!p1 s9, s2  }
0x11a: {  	s0 =	sshll.u32 @!p1 s0, $0x4  }
0x11b: {  	s24 =	sshrl.u32 s8, $0x2;
	s2 =	simm.s32 @!p1 $0x40;
	s0 =	sand.u32 @!p1 $0x1FFFFF00, s0  }
0x11c: {  	s10 =	simm.s32 @!p1 $0x80;
	s12 =	simm.s32 @!p1 $0x15180;
	s0 =	sadd.s32 @!p1 s5, s0  }
0x11d: {  	[tilespmem:s12], [sflag:$0x3] =	stream.strided.gather @!p1 [hbm4b:s0+s2], $0xA00, s10, s2, $0x38;
	[tilespmem:$0x1A180] =	vst v63  }
0x11e: {  	s28 =	smov.u32 s1;
	s25 =	simm.s32 $0x17980;
	s0 =	sadd.s32 $0x13B00, s24  }
0x11f: {  	[spmem:s28] =	stream.indirect.scatter.add.f32 [tilespmem:s25], [sflag:$0x7], $0x80, s0, s22, $0xb8;
	[tilespmem:$0x1A180] =	vst v63  }
0x120: {  	_ =	swait.ge [sflag:s3], $0xA00  }
0x121: {  	[sflag:s3] =	ssyncset.done $0x0  }
0x122: {  	[sflag:s3] =	ssyncadd.s32 $0xFFFFF600  }
0x123: {  	_ =	swait.ge [sflag:s20], $0xA00  }
0x124: {  	[sflag:s20] =	ssyncset.done $0x0  }
0x125: {  	[sflag:s20] =	ssyncadd.s32 $0xFFFFF600  }
0x126: {  	_ =	swait.ge [sflag:s21], $0xA00  }
0x127: {  	[sflag:s21] =	ssyncset.done $0x0  }
0x128: {  	[sflag:s21] =	ssyncadd.s32 $0xFFFFF600  }
0x129: {  	_ =	swait.ge [sflag:s11], $0x1400  }
0x12a: {  	[sflag:s11] =	ssyncset.done $0x0  }
0x12b: {  	s26 =	simm.s32 $0x15BC0;
	[sflag:s11] =	ssyncadd.s32 $0xFFFFEC00  }
0x12c: {  	s0 =	simm.s32 $0x165C0;
	v0 =	vld [tilespmem:s26+$0x0]  }
0x12d: {  	v1 =	vld [tilespmem:s0+$0x0]  }
0x12e: {  	s12 =	simm.s32 $0x16FC0  }
0x12f: {  	v2 =	vld [tilespmem:s12+$0x0];
	_ =	sdelay $0x2  }
0x130: {  	v3 =	vshll.u32 v0, $0x10;
	v4 =	vshll.u32 v1, $0x10  }
0x131: {  	v0 =	vand.u32 $0xFFFF0000, v0;
	v1 =	vand.u32 $0xFFFF0000, v1;
	v3 =	vadd.f32 v4, v3  }
0x132: {  	v5 =	vshll.u32 v2, $0x10;
	v4 =	vld [tilespmem:s0+$0xFFFFFFC0];
	v0 =	vadd.f32 v1, v0  }
0x133: {  	v2 =	vand.u32 $0xFFFF0000, v2;
	v1 =	vld [tilespmem:s26+$0xFFFFFFC0];
	v3 =	vadd.f32 v5, v3  }
0x134: {  	v0 =	vadd.f32 v2, v0  }
0x135: {  	s8 =	simm.s32 $0x18E00;
	v2 =	vld [tilespmem:s12+$0xFFFFFFC0];
	v3 =	vmax.f32 v3, $0.0e+00  }
0x136: {  	v0 =	vmax.f32 v0, $0.0e+00;
	[tilespmem:s8+$0x0] =	vst v3  }
0x137: {  	[tilespmem:s8+$0x40] =	vst v0  }
0x138: {  	v0 =	vshll.u32 v1, $0x10;
	v3 =	vshll.u32 v4, $0x10;
	v5 =	vld [tilespmem:s26+$0x10]  }
0x139: {  	v1 =	vand.u32 $0xFFFF0000, v1;
	v4 =	vand.u32 $0xFFFF0000, v4;
	v0 =	vadd.f32 v3, v0;
	v3 =	vld [tilespmem:s0+$0x10]  }
0x13a: {  	v1 =	vadd.f32 v4, v1;
	v6 =	vshll.u32 v2, $0x10  }
0x13b: {  	v4 =	vld [tilespmem:s12+$0x10];
	v2 =	vand.u32 $0xFFFF0000, v2;
	v0 =	vadd.f32 v6, v0  }
0x13c: {  	v1 =	vadd.f32 v2, v1  }
0x13d: {  	v0 =	vmax.f32 v0, $0.0e+00  }
0x13e: {  	v1 =	vmax.f32 v1, $0.0e+00;
	v2 =	vshll.u32 v5, $0x10;
	v6 =	vshll.u32 v3, $0x10  }
0x13f: {  	[tilespmem:s8+$0xFFFFFF80] =	vst v0;
	v0 =	vand.u32 $0xFFFF0000, v5;
	v3 =	vand.u32 $0xFFFF0000, v3;
	v2 =	vadd.f32 v6, v2  }
0x140: {  	[tilespmem:s8+$0xFFFFFFC0] =	vst v1;
	v1 =	vshll.u32 v4, $0x10;
	v0 =	vadd.f32 v3, v0  }
0x141: {  	v4 =	vand.u32 $0xFFFF0000, v4;
	v3 =	vld [tilespmem:s26+$0xFFFFFFD0];
	v1 =	vadd.f32 v1, v2  }
0x142: {  	v2 =	vld [tilespmem:s0+$0xFFFFFFD0];
	v0 =	vadd.f32 v4, v0  }
0x143: {  	v1 =	vmax.f32 v1, $0.0e+00  }
0x144: {  	v0 =	vmax.f32 v0, $0.0e+00;
	[tilespmem:s8+$0x10] =	vst v1  }
0x145: {  	v4 =	vld [tilespmem:s12+$0xFFFFFFD0];
	[tilespmem:s8+$0x50] =	vst v0  }
0x146: {  	v0 =	vld [tilespmem:s26+$0x20]  }
0x147: {  	s23 =	simm.s32 $0x15C40;
	v1 =	vshll.u32 v3, $0x10;
	v6 =	vld [tilespmem:s0+$0x20];
	v5 =	vshll.u32 v2, $0x10  }
0x148: {  	s24 =	simm.s32 $0x16640;
	v3 =	vand.u32 $0xFFFF0000, v3;
	v2 =	vand.u32 $0xFFFF0000, v2;
	v1 =	vadd.f32 v5, v1;
	v5 =	vld [tilespmem:s23+$0x0]  }
0x149: {  	v2 =	vadd.f32 v2, v3;
	v3 =	vld [tilespmem:s24+$0x0]  }
0x14a: {  	s2 =	simm.s32 $0x17040;
	v7 =	vshll.u32 v4, $0x10;
	v4 =	vand.u32 $0xFFFF0000, v4  }
0x14b: {  	v2 =	vadd.f32 v4, v2;
	v4 =	vld [tilespmem:s2+$0x0]  }
0x14c: {  	v1 =	vadd.f32 v7, v1;
	v8 =	vshll.u32 v0, $0x10  }
0x14d: {  	v7 =	vld [tilespmem:s12+$0x20];
	v9 =	vshll.u32 v6, $0x10;
	v0 =	vand.u32 $0xFFFF0000, v0;
	v6 =	vand.u32 $0xFFFF0000, v6  }
0x14e: {  	s1 =	simm.s32 $0x15CC0;
	v1 =	vmax.f32 v1, $0.0e+00;
	v10 =	vshll.u32 v5, $0x10;
	v11 =	vshll.u32 v3, $0x10  }
0x14f: {  	v20 =	vld [tilespmem:s1+$0xFFFFFFC0];
	v5 =	vand.u32 $0xFFFF0000, v5;
	v3 =	vand.u32 $0xFFFF0000, v3;
	v10 =	vadd.f32 v11, v10  }
0x150: {  	v2 =	vmax.f32 v2, $0.0e+00;
	v11 =	vld [tilespmem:s24+$0xFFFFFFC0];
	v3 =	vadd.f32 v3, v5;
	v58 =	vshll.u32 v4, $0x10  }
0x151: {  	s25 =	simm.s32 $0x16740;
	v5 =	vadd.f32 v9, v8;
	v8 =	vld [tilespmem:s23+$0xFFFFFFC0];
	v4 =	vand.u32 $0xFFFF0000, v4;
	v9 =	vadd.f32 v58, v10  }
0x152: {  	v37 =	vld [tilespmem:s25+$0x0];
	v0 =	vadd.f32 v6, v0;
	[tilespmem:s8+$0xFFFFFF90] =	vst v1;
	v1 =	vshll.u32 v7, $0x10;
	v3 =	vadd.f32 v4, v3  }
0x153: {  	s17 =	simm.s32 $0x18F00;
	[tilespmem:s8+$0xFFFFFFD0] =	vst v2;
	v2 =	vld [tilespmem:s2+$0xFFFFFFC0];
	v4 =	vand.u32 $0xFFFF0000, v7;
	v1 =	vadd.f32 v1, v5;
	v5 =	vmax.f32 v9, $0.0e+00  }
0x154: {  	v6 =	vld [tilespmem:s26+$0xFFFFFFE0];
	v0 =	vadd.f32 v4, v0;
	v3 =	vmax.f32 v3, $0.0e+00;
	[tilespmem:s17+$0x0] =	vst v5  }
0x155: {  	v21 =	vshll.u32 v20, $0x10;
	v4 =	vld [tilespmem:s0+$0xFFFFFFE0];
	v1 =	vmax.f32 v1, $0.0e+00;
	[tilespmem:s17+$0x40] =	vst v3  }
0x156: {  	[tilespmem:s8+$0x20] =	vst v1;
	v0 =	vmax.f32 v0, $0.0e+00;
	v1 =	vshll.u32 v8, $0x10;
	v3 =	vshll.u32 v11, $0x10;
	v5 =	vld [tilespmem:s23+$0x10]  }
0x157: {  	v7 =	vand.u32 $0xFFFF0000, v11;
	[tilespmem:s8+$0x60] =	vst v0;
	v0 =	vand.u32 $0xFFFF0000, v8;
	v1 =	vadd.f32 v3, v1;
	v3 =	vld [tilespmem:s24+$0x10]  }
0x158: {  	v41 =	vshll.u32 v37, $0x10;
	v9 =	vshll.u32 v2, $0x10;
	v11 =	vld [tilespmem:s12+$0xFFFFFFE0];
	v0 =	vadd.f32 v7, v0  }
0x159: {  	v2 =	vand.u32 $0xFFFF0000, v2;
	v7 =	vshll.u32 v6, $0x10;
	v1 =	vadd.f32 v9, v1;
	v9 =	vld [tilespmem:s2+$0x10]  }
0x15a: {  	v8 =	vld [tilespmem:s26+$0x30];
	v0 =	vadd.f32 v2, v0;
	v2 =	vand.u32 $0xFFFF0000, v6;
	v6 =	vshll.u32 v4, $0x10  }
0x15b: {  	v10 =	vld [tilespmem:s0+$0x30];
	v4 =	vand.u32 $0xFFFF0000, v4;
	v1 =	vmax.f32 v1, $0.0e+00;
	v6 =	vadd.f32 v6, v7  }
0x15c: {  	[tilespmem:s17+$0xFFFFFF80] =	vst v1;
	v0 =	vmax.f32 v0, $0.0e+00;
	v1 =	vshll.u32 v5, $0x10;
	v7 =	vshll.u32 v3, $0x10  }
0x15d: {  	v59 =	vld [tilespmem:s12+$0x30];
	v3 =	vand.u32 $0xFFFF0000, v3;
	[tilespmem:s17+$0xFFFFFFC0] =	vst v0;
	v0 =	vand.u32 $0xFFFF0000, v5;
	v1 =	vadd.f32 v7, v1  }
0x15e: {  	v62 =	vshll.u32 v11, $0x10;
	v7 =	vld [tilespmem:s23+$0xFFFFFFD0];
	v60 =	vshll.u32 v9, $0x10;
	v0 =	vadd.f32 v3, v0  }
0x15f: {  	v2 =	vadd.f32 v4, v2;
	v61 =	vld [tilespmem:s24+$0xFFFFFFD0];
	v9 =	vand.u32 $0xFFFF0000, v9;
	v1 =	vadd.f32 v60, v1  }
0x160: {  	v5 =	vand.u32 $0xFFFF0000, v8;
	v3 =	vand.u32 $0xFFFF0000, v10;
	v0 =	vadd.f32 v9, v0  }
0x161: {  	v4 =	vand.u32 $0xFFFF0000, v11;
	v3 =	vadd.f32 v3, v5;
	v5 =	vld [tilespmem:s2+$0xFFFFFFD0];
	v1 =	vmax.f32 v1, $0.0e+00  }
0x162: {  	v6 =	vadd.f32 v62, v6;
	v9 =	vand.u32 $0xFFFF0000, v59;
	[tilespmem:s17+$0x10] =	vst v1;
	v0 =	vmax.f32 v0, $0.0e+00  }
0x163: {  	v1 =	vadd.f32 v4, v2;
	v2 =	vadd.f32 v9, v3;
	v3 =	vshll.u32 v7, $0x10;
	[tilespmem:s17+$0x50] =	vst v0  }
0x164: {  	v0 =	vand.u32 $0xFFFF0000, v7;
	v4 =	vshll.u32 v61, $0x10;
	v7 =	vand.u32 $0xFFFF0000, v61;
	v9 =	vld [tilespmem:s23+$0x20]  }
0x165: {  	v42 =	vand.u32 $0xFFFF0000, v37;
	v4 =	vadd.f32 v4, v3;
	v0 =	vadd.f32 v7, v0;
	v7 =	vld [tilespmem:s24+$0x20]  }
0x166: {  	v3 =	vmax.f32 v2, $0.0e+00;
	v2 =	vshll.u32 v5, $0x10;
	v5 =	vand.u32 $0xFFFF0000, v5;
	v11 =	vld [tilespmem:s2+$0x20]  }
0x167: {  	s14 =	simm.s32 $0x166C0;
	v6 =	vmax.f32 v6, $0.0e+00;
	v2 =	vadd.f32 v2, v4;
	v0 =	vadd.f32 v5, v0;
	v4 =	vld [tilespmem:s1+$0x0]  }
0x168: {  	v1 =	vmax.f32 v1, $0.0e+00;
	v5 =	vshll.u32 v8, $0x10;
	v8 =	vshll.u32 v10, $0x10;
	v10 =	vld [tilespmem:s14+$0x0]  }
0x169: {  	s18 =	simm.s32 $0x170C0;
	[tilespmem:s8+$0xFFFFFFA0] =	vst v6;
	v5 =	vadd.f32 v8, v5;
	v2 =	vmax.f32 v2, $0.0e+00;
	v0 =	vmax.f32 v0, $0.0e+00  }
0x16a: {  	[tilespmem:s8+$0xFFFFFFE0] =	vst v1;
	v8 =	vld [tilespmem:s18+$0x0];
	v1 =	vshll.u32 v9, $0x10;
	v6 =	vshll.u32 v7, $0x10;
	v9 =	vand.u32 $0xFFFF0000, v9  }
0x16b: {  	v63 =	vld [tilespmem:s26+$0xFFFFFFF0];
	v7 =	vand.u32 $0xFFFF0000, v7;
	v1 =	vadd.f32 v6, v1;
	v6 =	vshll.u32 v11, $0x10  }
0x16c: {  	[tilespmem:s17+$0xFFFFFF90] =	vst v2;
	v2 =	vld [tilespmem:s14+$0xFFFFFFC0];
	v7 =	vadd.f32 v7, v9;
	v11 =	vand.u32 $0xFFFF0000, v11;
	v9 =	vshll.u32 v4, $0x10  }
0x16d: {  	v4 =	vand.u32 $0xFFFF0000, v4;
	v1 =	vadd.f32 v6, v1;
	v6 =	vshll.u32 v10, $0x10  }
0x16e: {  	v30 =	vld [tilespmem:s0+$0xFFFFFFF0];
	v7 =	vadd.f32 v11, v7;
	v10 =	vand.u32 $0xFFFF0000, v10;
	v6 =	vadd.f32 v6, v9  }
0x16f: {  	[tilespmem:s17+$0xFFFFFFD0] =	vst v0;
	v0 =	vld [tilespmem:s18+$0xFFFFFFC0];
	v11 =	vshll.u32 v8, $0x10;
	v4 =	vadd.f32 v10, v4;
	v1 =	vmax.f32 v1, $0.0e+00  }
0x170: {  	v9 =	vld [tilespmem:s23+$0xFFFFFFE0];
	[tilespmem:s17+$0x20] =	vst v1;
	v1 =	vmax.f32 v7, $0.0e+00;
	v7 =	vand.u32 $0xFFFF0000, v8;
	v6 =	vadd.f32 v11, v6  }
0x171: {  	v13 =	vand.u32 $0xFFFF0000, v63;
	v10 =	vld [tilespmem:s24+$0xFFFFFFE0];
	v23 =	vand.u32 $0xFFFF0000, v2;
	[tilespmem:s17+$0x60] =	vst v1;
	v1 =	vadd.f32 v7, v4  }
0x172: {  	s10 =	simm.s32 $0x19000;
	v8 =	vshll.u32 v59, $0x10;
	v11 =	vld [tilespmem:s2+$0xFFFFFFE0];
	v7 =	vshll.u32 v2, $0x10;
	v6 =	vmax.f32 v6, $0.0e+00  }
0x173: {  	v4 =	vand.u32 $0xFFFF0000, v20;
	v22 =	vld [tilespmem:s23+$0x30];
	v7 =	vadd.f32 v7, v21;
	[tilespmem:s10+$0x0] =	vst v6;
	v1 =	vmax.f32 v1, $0.0e+00  }
0x174: {  	v2 =	vadd.f32 v8, v5;
	v5 =	vshll.u32 v0, $0x10;
	v24 =	vld [tilespmem:s24+$0x30];
	v4 =	vadd.f32 v23, v4;
	[tilespmem:s10+$0x40] =	vst v1  }
0x175: {  	v15 =	vand.u32 $0xFFFF0000, v30;
	v0 =	vand.u32 $0xFFFF0000, v0;
	v5 =	vadd.f32 v5, v7;
	v7 =	vld [tilespmem:s1+$0x10]  }
0x176: {  	v8 =	vshll.u32 v9, $0x10;
	v0 =	vadd.f32 v0, v4;
	v4 =	vand.u32 $0xFFFF0000, v9;
	v9 =	vld [tilespmem:s14+$0x10]  }
0x177: {  	v25 =	vshll.u32 v10, $0x10;
	v10 =	vand.u32 $0xFFFF0000, v10;
	v1 =	vld [tilespmem:s2+$0x30];
	v5 =	vmax.f32 v5, $0.0e+00  }
0x178: {  	s0 =	simm.s32 $0x15D40;
	v8 =	vadd.f32 v25, v8;
	v26 =	vld [tilespmem:s18+$0x10];
	v4 =	vadd.f32 v10, v4;
	v0 =	vmax.f32 v0, $0.0e+00;
	[tilespmem:s10+$0xFFFFFF80] =	vst v5  }
0x179: {  	s26 =	simm.s32 $0x17140;
	v36 =	vld [tilespmem:s0+$0x0];
	v5 =	vand.u32 $0xFFFF0000, v22;
	v27 =	vand.u32 $0xFFFF0000, v24;
	[tilespmem:s10+$0xFFFFFFC0] =	vst v0;
	v0 =	vshll.u32 v11, $0x10  }
0x17a: {  	v38 =	vld [tilespmem:s26+$0x0];
	v11 =	vand.u32 $0xFFFF0000, v11;
	v5 =	vadd.f32 v27, v5;
	v0 =	vadd.f32 v0, v8  }
0x17b: {  	v10 =	vld [tilespmem:s1+$0xFFFFFFD0];
	v4 =	vadd.f32 v11, v4;
	v17 =	vshll.u32 v7, $0x10;
	v18 =	vshll.u32 v9, $0x10  }
0x17c: {  	v28 =	vld [tilespmem:s14+$0xFFFFFFD0];
	v7 =	vand.u32 $0xFFFF0000, v7;
	v9 =	vand.u32 $0xFFFF0000, v9;
	v17 =	vadd.f32 v18, v17  }
0x17d: {  	v8 =	vand.u32 $0xFFFF0000, v1;
	v29 =	vshll.u32 v26, $0x10;
	v7 =	vadd.f32 v9, v7  }
0x17e: {  	v11 =	vld [tilespmem:s18+$0xFFFFFFD0];
	v5 =	vadd.f32 v8, v5;
	v8 =	vand.u32 $0xFFFF0000, v26;
	v9 =	vadd.f32 v29, v17  }
0x17f: {  	v19 =	vshll.u32 v36, $0x10;
	v44 =	vshll.u32 v38, $0x10;
	v7 =	vadd.f32 v8, v7  }
0x180: {  	v6 =	vshll.u32 v63, $0x10;
	v14 =	vshll.u32 v22, $0x10;
	v9 =	vmax.f32 v9, $0.0e+00  }
0x181: {  	v8 =	vand.u32 $0xFFFF0000, v10;
	v16 =	vand.u32 $0xFFFF0000, v28;
	v7 =	vmax.f32 v7, $0.0e+00;
	[tilespmem:s10+$0x10] =	vst v9  }
0x182: {  	v31 =	vshll.u32 v10, $0x10;
	v10 =	vshll.u32 v28, $0x10;
	v8 =	vadd.f32 v16, v8;
	v9 =	vld [tilespmem:s12+$0xFFFFFFF0];
	[tilespmem:s10+$0x50] =	vst v7  }
0x183: {  	v32 =	vshll.u32 v11, $0x10;
	v7 =	vmax.f32 v0, $0.0e+00;
	v0 =	vand.u32 $0xFFFF0000, v11;
	v11 =	vld [tilespmem:s1+$0x20]  }
0x184: {  	v12 =	vshll.u32 v24, $0x10;
	v10 =	vadd.f32 v10, v31;
	v0 =	vadd.f32 v0, v8;
	v33 =	vld [tilespmem:s14+$0x20]  }
0x185: {  	v12 =	vadd.f32 v12, v14;
	v1 =	vshll.u32 v1, $0x10;
	v8 =	vshll.u32 v30, $0x10  }
0x186: {  	v10 =	vadd.f32 v32, v10;
	v34 =	vmax.f32 v0, $0.0e+00;
	v0 =	vadd.f32 v8, v6;
	v6 =	vld [tilespmem:s18+$0x20]  }
0x187: {  	v1 =	vadd.f32 v1, v12;
	v8 =	vadd.f32 v15, v13;
	v35 =	vshll.u32 v9, $0x10  }
0x188: {  	v10 =	vmax.f32 v10, $0.0e+00;
	v9 =	vand.u32 $0xFFFF0000, v9;
	v13 =	vadd.f32 v35, v0  }
0x189: {  	[tilespmem:s10+$0xFFFFFF90] =	vst v10;
	v0 =	vadd.f32 v9, v8;
	v8 =	vshll.u32 v11, $0x10;
	v9 =	vshll.u32 v33, $0x10  }
0x18a: {  	v40 =	vld [tilespmem:s25+$0xFFFFFFC0];
	[tilespmem:s10+$0xFFFFFFD0] =	vst v34;
	v11 =	vand.u32 $0xFFFF0000, v11;
	v16 =	vand.u32 $0xFFFF0000, v33;
	v8 =	vadd.f32 v9, v8  }
0x18b: {  	v12 =	vadd.f32 v41, v19;
	v43 =	vld [tilespmem:s1+$0xFFFFFFE0];
	v11 =	vadd.f32 v16, v11;
	v39 =	vshll.u32 v6, $0x10  }
0x18c: {  	v10 =	vand.u32 $0xFFFF0000, v36;
	v9 =	vld [tilespmem:s0+$0xFFFFFFC0];
	v6 =	vand.u32 $0xFFFF0000, v6;
	v8 =	vadd.f32 v39, v8  }
0x18d: {  	v4 =	vmax.f32 v4, $0.0e+00;
	v10 =	vadd.f32 v42, v10;
	v45 =	vld [tilespmem:s14+$0xFFFFFFE0];
	v6 =	vadd.f32 v6, v11  }
0x18e: {  	v18 =	vand.u32 $0xFFFF0000, v38;
	v5 =	vmax.f32 v5, $0.0e+00;
	v11 =	vld [tilespmem:s26+$0xFFFFFFC0];
	v8 =	vmax.f32 v8, $0.0e+00  }
0x18f: {  	v12 =	vadd.f32 v44, v12;
	v10 =	vadd.f32 v18, v10;
	v6 =	vmax.f32 v6, $0.0e+00;
	[tilespmem:s10+$0x20] =	vst v8  }
0x190: {  	v16 =	vand.u32 $0xFFFF0000, v40;
	v50 =	vshll.u32 v43, $0x10;
	v15 =	vand.u32 $0xFFFF0000, v43;
	[tilespmem:s10+$0x60] =	vst v6  }
0x191: {  	v8 =	vshll.u32 v9, $0x10;
	v6 =	vand.u32 $0xFFFF0000, v9;
	v9 =	vshll.u32 v40, $0x10;
	v47 =	vld [tilespmem:s1+$0x30]  }
0x192: {  	s19 =	simm.s32 $0x19100;
	v14 =	vand.u32 $0xFFFF0000, v45;
	v8 =	vadd.f32 v9, v8;
	v9 =	vmax.f32 v12, $0.0e+00;
	v48 =	vld [tilespmem:s14+$0x30]  }
0x193: {  	v46 =	vld [tilespmem:s18+$0xFFFFFFE0];
	v6 =	vadd.f32 v16, v6;
	v49 =	vshll.u32 v11, $0x10;
	[tilespmem:s19+$0x0] =	vst v9;
	v9 =	vmax.f32 v10, $0.0e+00  }
0x194: {  	v10 =	vmax.f32 v2, $0.0e+00;
	v11 =	vand.u32 $0xFFFF0000, v11;
	v2 =	vld [tilespmem:s18+$0x30];
	v8 =	vadd.f32 v49, v8;
	[tilespmem:s19+$0x40] =	vst v9  }
0x195: {  	[tilespmem:s8+$0x70] =	vst v3;
	v51 =	vshll.u32 v45, $0x10;
	v14 =	vadd.f32 v14, v15;
	v6 =	vadd.f32 v11, v6;
	v11 =	vld [tilespmem:s0+$0x10]  }
0x196: {  	[tilespmem:s17+$0xFFFFFFE0] =	vst v4;
	v9 =	vmax.f32 v13, $0.0e+00;
	v13 =	vadd.f32 v51, v50;
	v52 =	vld [tilespmem:s25+$0x10];
	v8 =	vmax.f32 v8, $0.0e+00  }
0x197: {  	v6 =	vmax.f32 v6, $0.0e+00;
	[tilespmem:s19+$0xFFFFFF80] =	vst v8;
	v8 =	vand.u32 $0xFFFF0000, v47;
	v53 =	vand.u32 $0xFFFF0000, v48  }
0x198: {  	v54 =	vshll.u32 v46, $0x10;
	v17 =	vand.u32 $0xFFFF0000, v46;
	[tilespmem:s19+$0xFFFFFFC0] =	vst v6;
	v6 =	vld [tilespmem:s26+$0x10];
	v8 =	vadd.f32 v53, v8  }
0x199: {  	[tilespmem:s17+$0x70] =	vst v5;
	v14 =	vadd.f32 v17, v14;
	v3 =	vadd.f32 v54, v13;
	v55 =	vld [tilespmem:s0+$0xFFFFFFD0];
	v56 =	vand.u32 $0xFFFF0000, v2  }
0x19a: {  	[tilespmem:s17+$0xFFFFFFA0] =	vst v7;
	v12 =	vshll.u32 v48, $0x10;
	v57 =	vld [tilespmem:s25+$0xFFFFFFD0];
	v5 =	vadd.f32 v56, v8;
	v8 =	vshll.u32 v11, $0x10  }
0x19b: {  	v60 =	vld [tilespmem:s23+$0xFFFFFFF0];
	v58 =	vshll.u32 v52, $0x10;
	v11 =	vand.u32 $0xFFFF0000, v11;
	v59 =	vand.u32 $0xFFFF0000, v52  }
0x19c: {  	v7 =	vld [tilespmem:s26+$0xFFFFFFD0];
	v3 =	vmax.f32 v3, $0.0e+00;
	v8 =	vadd.f32 v58, v8;
	v11 =	vadd.f32 v59, v11  }
0x19d: {  	[tilespmem:s8+$0x30] =	vst v10;
	v4 =	vmax.f32 v5, $0.0e+00;
	v5 =	vshll.u32 v6, $0x10;
	v6 =	vand.u32 $0xFFFF0000, v6  }
0x19e: {  	v10 =	vld [tilespmem:s24+$0xFFFFFFF0];
	[tilespmem:s8+$0xFFFFFFB0] =	vst v9;
	v9 =	vshll.u32 v55, $0x10;
	v5 =	vadd.f32 v5, v8;
	v8 =	vand.u32 $0xFFFF0000, v55  }
0x19f: {  	v61 =	vshll.u32 v57, $0x10;
	[tilespmem:s10+$0x70] =	vst v4;
	v4 =	vadd.f32 v6, v11;
	v6 =	vand.u32 $0xFFFF0000, v57  }
0x1a0: {  	[tilespmem:s10+$0xFFFFFFA0] =	vst v3;
	v11 =	vand.u32 $0xFFFF0000, v60;
	v9 =	vadd.f32 v61, v9;
	v3 =	vmax.f32 v5, $0.0e+00  }
0x1a1: {  	v62 =	vld [tilespmem:s2+$0xFFFFFFF0];
	v6 =	vadd.f32 v6, v8;
	v5 =	vshll.u32 v7, $0x10;
	[tilespmem:s19+$0x10] =	vst v3;
	v3 =	vmax.f32 v4, $0.0e+00  }
0x1a2: {  	v8 =	vshll.u32 v60, $0x10;
	v4 =	vand.u32 $0xFFFF0000, v7;
	v7 =	vadd.f32 v5, v9;
	[tilespmem:s19+$0x50] =	vst v3  }
0x1a3: {  	v9 =	vshll.u32 v10, $0x10;
	v3 =	vmax.f32 v14, $0.0e+00;
	v4 =	vadd.f32 v4, v6;
	v5 =	vld [tilespmem:s0+$0x20]  }
0x1a4: {  	v9 =	vadd.f32 v9, v8;
	[tilespmem:s10+$0xFFFFFFE0] =	vst v3;
	v3 =	vmax.f32 v7, $0.0e+00;
	v7 =	vand.u32 $0xFFFF0000, v10;
	v6 =	vld [tilespmem:s25+$0x20]  }
0x1a5: {  	s12 =	simm.s32 $0x16740;
	v10 =	vshll.u32 v47, $0x10;
	v8 =	vld [tilespmem:s26+$0x20];
	[tilespmem:s19+$0xFFFFFF90] =	vst v3;
	v63 =	vmax.f32 v4, $0.0e+00;
	v4 =	vadd.f32 v7, v11  }
0x1a6: {  	s23 =	simm.s32 $0x6;
	s2 =	simm.s32 $0x17140;
	s24 =	simm.s32 $0x15DC0;
	v3 =	vld [tilespmem:s1+$0xFFFFFFF0];
	v7 =	vadd.f32 v12, v10;
	v11 =	vshll.u32 v62, $0x10;
	v10 =	vand.u32 $0xFFFF0000, v62;
	[tilespmem:s19+$0xFFFFFFD0] =	vst v63  }
.LBB2_5:
0x1a7: {  	v12 =	vld [tilespmem:s24+$0x0];
	s25 =	sadd.s32 $0x80, s25;
	v2 =	vshll.u32 v2, $0x10;
	v9 =	vadd.f32 v11, v9;
	v4 =	vadd.f32 v10, v4  }
0x1a8: {  	v11 =	vmax.f32 v1, $0.0e+00;
	v14 =	vmax.f32 v0, $0.0e+00;
	v10 =	vld [tilespmem:s25+$0x0];
	v1 =	vadd.f32 v2, v7  }
0x1a9: {  	s26 =	sadd.s32 $0x80, s26;
	v7 =	vshll.u32 v5, $0x10;
	v2 =	vld [tilespmem:s25+$0xFFFFFFC0];
	v13 =	vshll.u32 v6, $0x10;
	v9 =	vmax.f32 v9, $0.0e+00;
	[tilespmem:s8+$0xFFFFFFF0] =	vst v14;
	v0 =	vmovc v4;
	s8 =	smov.u32 s17;
	s17 =	smov.u32 s10  }
0x1aa: {  	v4 =	vand.u32 $0xFFFF0000, v5;
	v5 =	vand.u32 $0xFFFF0000, v6;
	s10 =	smov.u32 s19;
	v14 =	vld [tilespmem:s26+$0x0];
	v6 =	vadd.f32 v13, v7;
	[tilespmem:s8+$0xFFFFFFB0] =	vst v9  }
0x1ab: {  	v5 =	vadd.f32 v5, v4;
	v4 =	vshll.u32 v3, $0x10;
	v7 =	vld [tilespmem:s24+$0xFFFFFFC0];
	v9 =	vshll.u32 v8, $0x10;
	[tilespmem:s8+$0x30] =	vst v11  }
0x1ac: {  	v8 =	vand.u32 $0xFFFF0000, v8;
	v11 =	vld [tilespmem:s26+$0xFFFFFFC0];
	v13 =	vshll.u32 v12, $0x10;
	v6 =	vadd.f32 v9, v6  }
0x1ad: {  	v9 =	vand.u32 $0xFFFF0000, v12;
	v5 =	vadd.f32 v8, v5;
	v12 =	vshll.u32 v10, $0x10;
	v15 =	vld [tilespmem:s0+$0xFFFFFFE0]  }
0x1ae: {  	s23 =	sadd.s32 $0x2, s23;
	v8 =	vand.u32 $0xFFFF0000, v10;
	v10 =	vadd.f32 v12, v13;
	v12 =	vld [tilespmem:s12+$0xFFFFFFE0];
	v6 =	vmax.f32 v6, $0.0e+00  }
0x1af: {  	p1 =	slt.u32 s23, $0x26;
	v8 =	vadd.f32 v8, v9;
	v5 =	vmax.f32 v5, $0.0e+00;
	v13 =	vshll.u32 v14, $0x10;
	v9 =	vld [tilespmem:s2+$0xFFFFFFE0];
	[tilespmem:s19+$0x20] =	vst v6  }
0x1b0: {  	v14 =	vand.u32 $0xFFFF0000, v14;
	v6 =	vshll.u32 v7, $0x10;
	v10 =	vadd.f32 v13, v10;
	[tilespmem:s19+$0x60] =	vst v5;
	v13 =	vld [tilespmem:s14+$0xFFFFFFF0];
	s14 =	smov.u32 s12;
	s12 =	smov.u32 s25  }
0x1b1: {  	v5 =	vand.u32 $0xFFFF0000, v7;
	v7 =	vshll.u32 v2, $0x10;
	v8 =	vadd.f32 v14, v8;
	v14 =	vld [tilespmem:s0+$0x30]  }
0x1b2: {  	v2 =	vand.u32 $0xFFFF0000, v2;
	s19 =	sadd.s32 $0x100, s19;
	v6 =	vadd.f32 v7, v6;
	v7 =	vmax.f32 v10, $0.0e+00;
	v10 =	vld [tilespmem:s14+$0x30]  }
0x1b3: {  	v16 =	vshll.u32 v11, $0x10;
	v5 =	vadd.f32 v2, v5;
	v2 =	vmax.f32 v8, $0.0e+00;
	[tilespmem:s19+$0x0] =	vst v7;
	v17 =	vld [tilespmem:s18+$0xFFFFFFF0];
	s18 =	smov.u32 s2;
	s2 =	smov.u32 s26  }
0x1b4: {  	v8 =	vshll.u32 v15, $0x10;
	v7 =	vand.u32 $0xFFFF0000, v11;
	v6 =	vadd.f32 v16, v6;
	[tilespmem:s19+$0x40] =	vst v2;
	v2 =	vld [tilespmem:s18+$0x30]  }
0x1b5: {  	v11 =	vand.u32 $0xFFFF0000, v15;
	v15 =	vshll.u32 v12, $0x10;
	v5 =	vadd.f32 v7, v5;
	v7 =	vld [tilespmem:s24+$0x10]  }
0x1b6: {  	v12 =	vand.u32 $0xFFFF0000, v12;
	v8 =	vadd.f32 v15, v8;
	v6 =	vmax.f32 v6, $0.0e+00;
	v16 =	vld [tilespmem:s25+$0x10]  }
0x1b7: {  	v5 =	vmax.f32 v5, $0.0e+00;
	[tilespmem:s19+$0xFFFFFF80] =	vst v6;
	v6 =	vand.u32 $0xFFFF0000, v14;
	v15 =	vand.u32 $0xFFFF0000, v10  }
0x1b8: {  	v18 =	vshll.u32 v9, $0x10;
	v11 =	vadd.f32 v12, v11;
	[tilespmem:s19+$0xFFFFFFC0] =	vst v5;
	v5 =	vld [tilespmem:s26+$0x10];
	v6 =	vadd.f32 v15, v6  }
0x1b9: {  	v9 =	vand.u32 $0xFFFF0000, v9;
	v8 =	vadd.f32 v18, v8;
	v12 =	vld [tilespmem:s24+$0xFFFFFFD0];
	v15 =	vand.u32 $0xFFFF0000, v2  }
0x1ba: {  	v9 =	vadd.f32 v9, v11;
	v11 =	vand.u32 $0xFFFF0000, v3;
	v18 =	vld [tilespmem:s25+$0xFFFFFFD0];
	v6 =	vadd.f32 v15, v6  }
0x1bb: {  	v15 =	vshll.u32 v7, $0x10;
	v7 =	vand.u32 $0xFFFF0000, v7;
	v3 =	vld [tilespmem:s26+$0xFFFFFFD0];
	v19 =	vshll.u32 v16, $0x10  }
0x1bc: {  	v16 =	vand.u32 $0xFFFF0000, v16;
	v15 =	vadd.f32 v19, v15;
	v6 =	vmax.f32 v6, $0.0e+00  }
0x1bd: {  	v8 =	vmax.f32 v8, $0.0e+00;
	v7 =	vadd.f32 v16, v7;
	v19 =	vshll.u32 v5, $0x10;
	[tilespmem:s10+$0x70] =	vst v6  }
0x1be: {  	v5 =	vand.u32 $0xFFFF0000, v5;
	v6 =	vshll.u32 v12, $0x10;
	v15 =	vadd.f32 v19, v15;
	[tilespmem:s10+$0xFFFFFFA0] =	vst v8  }
0x1bf: {  	v8 =	vand.u32 $0xFFFF0000, v12;
	v5 =	vadd.f32 v5, v7;
	v12 =	vshll.u32 v18, $0x10  }
0x1c0: {  	v7 =	vand.u32 $0xFFFF0000, v18;
	v6 =	vadd.f32 v12, v6;
	v12 =	vmax.f32 v15, $0.0e+00  }
0x1c1: {  	v15 =	vshll.u32 v3, $0x10;
	v7 =	vadd.f32 v7, v8;
	v5 =	vmax.f32 v5, $0.0e+00;
	[tilespmem:s19+$0x10] =	vst v12  }
.Ltmp1:
0x1c2: {  	v3 =	vand.u32 $0xFFFF0000, v3;
	v8 =	vmax.f32 v9, $0.0e+00;
	v6 =	vadd.f32 v15, v6;
	[tilespmem:s19+$0x50] =	vst v5;
	(pc) =	sbr.rel @p1 .LBB2_5-.Ltmp1, $4  }
0x1c3: {  	v3 =	vadd.f32 v3, v7;
	v7 =	vshll.u32 v13, $0x10;
	v5 =	vld [tilespmem:s24+$0x20];
	[tilespmem:s10+$0xFFFFFFE0] =	vst v8;
	v8 =	vand.u32 $0xFFFF0000, v13  }
0x1c4: {  	v10 =	vshll.u32 v10, $0x10;
	v12 =	vshll.u32 v14, $0x10;
	v9 =	vmax.f32 v6, $0.0e+00;
	v6 =	vld [tilespmem:s25+$0x20]  }
0x1c5: {  	v13 =	vmax.f32 v3, $0.0e+00;
	[tilespmem:s19+$0xFFFFFF90] =	vst v9;
	v3 =	vld [tilespmem:s0+$0xFFFFFFF0];
	v9 =	vadd.f32 v7, v4;
	v4 =	vadd.f32 v8, v11;
	s0 =	smov.u32 s24  }
0x1c6: {  	s24 =	sadd.s32 $0x80, s24;
	v7 =	vadd.f32 v10, v12;
	v11 =	vshll.u32 v17, $0x10;
	v10 =	vand.u32 $0xFFFF0000, v17;
	[tilespmem:s19+$0xFFFFFFD0] =	vst v13;
	v8 =	vld [tilespmem:s26+$0x20]  }
0x1c7: {  	v35 =	vld [tilespmem:s0+$0xFFFFFFE0]  }
0x1c8: {  	v36 =	vld [tilespmem:s12+$0xFFFFFFE0];
	v12 =	vshll.u32 v5, $0x10  }
0x1c9: {  	v30 =	vand.u32 $0xFFFF0000, v5;
	v13 =	vshll.u32 v6, $0x10;
	v31 =	vand.u32 $0xFFFF0000, v6  }
0x1ca: {  	v37 =	vld [tilespmem:s2+$0xFFFFFFE0];
	v12 =	vadd.f32 v13, v12;
	v5 =	vadd.f32 v31, v30  }
0x1cb: {  	v9 =	vadd.f32 v11, v9;
	v32 =	vshll.u32 v8, $0x10;
	v33 =	vand.u32 $0xFFFF0000, v8  }
0x1cc: {  	v34 =	vadd.f32 v32, v12;
	v5 =	vadd.f32 v33, v5  }
0x1cd: {  	v14 =	vshll.u32 v35, $0x10;
	v15 =	vshll.u32 v36, $0x10;
	v12 =	vand.u32 $0xFFFF0000, v35  }
0x1ce: {  	v40 =	vld [tilespmem:s14+$0xFFFFFFF0];
	v6 =	vand.u32 $0xFFFF0000, v36;
	v14 =	vadd.f32 v15, v14;
	v8 =	vmax.f32 v34, $0.0e+00  }
0x1cf: {  	v39 =	vshll.u32 v37, $0x10;
	v6 =	vadd.f32 v6, v12;
	v5 =	vmax.f32 v5, $0.0e+00;
	[tilespmem:s19+$0x20] =	vst v8  }
0x1d0: {  	v2 =	vshll.u32 v2, $0x10;
	v43 =	vld [tilespmem:s18+$0xFFFFFFF0];
	v13 =	vand.u32 $0xFFFF0000, v37;
	[tilespmem:s19+$0x60] =	vst v5;
	v12 =	vadd.f32 v39, v14  }
0x1d1: {  	v4 =	vadd.f32 v10, v4;
	v1 =	vmax.f32 v1, $0.0e+00;
	v6 =	vadd.f32 v13, v6;
	v5 =	vld [tilespmem:s0+$0x30]  }
0x1d2: {  	v0 =	vmax.f32 v0, $0.0e+00;
	v2 =	vadd.f32 v2, v7;
	v8 =	vld [tilespmem:s12+$0x30];
	v12 =	vmax.f32 v12, $0.0e+00  }
0x1d3: {  	v48 =	vand.u32 $0xFFFF0000, v3;
	v11 =	vand.u32 $0xFFFF0000, v40;
	v6 =	vmax.f32 v6, $0.0e+00;
	[tilespmem:s19+$0xFFFFFFA0] =	vst v12  }
0x1d4: {  	v9 =	vmax.f32 v9, $0.0e+00;
	v4 =	vmax.f32 v4, $0.0e+00;
	v52 =	vadd.f32 v11, v48;
	v38 =	vld [tilespmem:s2+$0x30];
	[tilespmem:s19+$0xFFFFFFE0] =	vst v6  }
0x1d5: {  	v47 =	vshll.u32 v3, $0x10;
	v2 =	vmax.f32 v2, $0.0e+00;
	v7 =	vand.u32 $0xFFFF0000, v43;
	v46 =	vld [tilespmem:s0+$0xFFFFFFF0]  }
0x1d6: {  	[tilespmem:s8+$0xFFFFFFF0] =	vst v0;
	v50 =	vshll.u32 v40, $0x10;
	v54 =	vshll.u32 v43, $0x10;
	v0 =	vadd.f32 v7, v52;
	v49 =	vld [tilespmem:s12+$0xFFFFFFF0]  }
0x1d7: {  	v12 =	vadd.f32 v50, v47;
	v41 =	vand.u32 $0xFFFF0000, v5;
	v42 =	vand.u32 $0xFFFF0000, v8  }
0x1d8: {  	v51 =	vld [tilespmem:s2+$0xFFFFFFF0];
	v5 =	vshll.u32 v5, $0x10;
	v8 =	vshll.u32 v8, $0x10;
	v13 =	vadd.f32 v42, v41  }
0x1d9: {  	[tilespmem:s17+$0x30] =	vst v1;
	v44 =	vand.u32 $0xFFFF0000, v38;
	v53 =	vadd.f32 v8, v5;
	v5 =	vadd.f32 v54, v12  }
0x1da: {  	[tilespmem:s17+$0xFFFFFFB0] =	vst v9;
	v0 =	vmax.f32 v0, $0.0e+00;
	v55 =	vshll.u32 v38, $0x10;
	v45 =	vadd.f32 v44, v13  }
0x1db: {  	[tilespmem:s17+$0xFFFFFFF0] =	vst v4;
	v56 =	vshll.u32 v46, $0x10;
	v57 =	vshll.u32 v49, $0x10;
	v5 =	vmax.f32 v5, $0.0e+00  }
0x1dc: {  	[tilespmem:s10+$0x30] =	vst v2;
	v58 =	vand.u32 $0xFFFF0000, v46;
	v59 =	vand.u32 $0xFFFF0000, v49;
	v1 =	vadd.f32 v57, v56  }
0x1dd: {  	[tilespmem:s10+$0xFFFFFFF0] =	vst v0;
	v60 =	vshll.u32 v51, $0x10;
	v3 =	vadd.f32 v55, v53;
	v4 =	vadd.f32 v59, v58  }
0x1de: {  	v61 =	vand.u32 $0xFFFF0000, v51;
	[tilespmem:s10+$0xFFFFFFB0] =	vst v5;
	v6 =	vmax.f32 v45, $0.0e+00;
	v1 =	vadd.f32 v60, v1  }
0x1df: {  	v62 =	vmax.f32 v3, $0.0e+00;
	[tilespmem:s19+$0x70] =	vst v6;
	v2 =	vadd.f32 v61, v4  }
0x1e0: {  	s15 =	sadd.s32 $0x1, s15;
	[tilespmem:s19+$0x30] =	vst v62;
	v1 =	vmax.f32 v1, $0.0e+00  }
0x1e1: {  	p1 =	sne.s32 s15, $0x7D;
	v63 =	vmax.f32 v2, $0.0e+00;
	[tilespmem:s19+$0xFFFFFFB0] =	vst v1  }
.Ltmp2:
0x1e2: {  	s26 =	simm.s32 $0x18D80;
	[tilespmem:s19+$0xFFFFFFF0] =	vst v63;
	(pc) =	sbr.rel @p1 .LBB2_2-.Ltmp2, $4  }
0x1e3: {  	[spmem:s28] =	stream.indirect.scatter.add.f32 [tilespmem:s26], [sflag:$0x8], $0x80, s16, s22, $0xb8;
	[tilespmem:$0x1A180] =	vst v63  }
0x1e4: {  	_ =	swait.ge [sflag:s13], $0x1400  }
0x1e5: {  	[sflag:s13] =	ssyncset.done $0x0  }
0x1e6: {  	[sflag:s13] =	ssyncadd.s32 $0xFFFFEC00  }
0x1e7: {  	[bflag:$0x0] =	sbarrier.arrive $0xFFFF  }
0x1e8: {  	s1 =	rddreg [dreg:$0x5]  }
0x1e9: {  	s0 =	rddreg [dreg:$0x9]  }
0x1ea: {  	s10 =	simm.s32 $0x9;
	s8 =	rddreg [dreg:$0xc]  }
0x1eb: {  	[hbm:s0], [sflag:s1] =	dma.local [spmem:s8], $0x2700  }
0x1ec: {  	_ =	swait.ge [sflag:s10], $0x2700  }
0x1ed: {  	[sflag:s10] =	ssyncset.done $0x0;
	s0 =	rddreg [dreg:$0xa]  }
0x1ee: {  	s12 =	rddreg [dreg:$0xd];
	[sflag:s10] =	ssyncadd.s32 $0xFFFFD900  }
0x1ef: {  	[hbm:s0], [sflag:s1] =	dma.local @!p0 [spmem:s12], $0x100  }
0x1f0: {  	s0 =	simm.s32 @!p0 $0x9  }
0x1f1: {  	_ =	swait.ge @!p0 [sflag:s0], $0x100  }
0x1f2: {  	s14 =	rddreg [dreg:$0xe]  }
0x1f3: {  	s2 =	rddreg [dreg:$0xb];
	s14 =	sadd.s32 $0x1, s14  }
0x1f4: {  	p1 =	sne.s32 s14, s2  }
.Ltmp3:
0x1f5: {  	_ = 	snop;
	(pc) =	sbr.rel @p1 .LBB2_1-.Ltmp3, $3  }
0x1f6: {  	_ =	sdelay $0x1  }
0x1f7: {  	[sflag:s0] =	ssyncset.done @!p0 $0x0  }
0x1f8: {  	[sflag:s0] =	ssyncadd.s32 @!p0 $0xFFFFFF00  }
0x1f9: {  	_ =	sfence.sel $0x180000  }
0x1fa: {  	[bflag:$0x0] =	sbarrier.arrive $0xFFFF  }
0x1fb: {  	_ =	strace $0x90000047  }
0x1fc: {  	[bflag:$0x2] =	sbarrier.arrive $0xFFFF  }
0x1fd: {  	s0 =	rddreg [dreg:$0x3]  }
0x1fe: {  	s0 =	sadd.s32 @!p0 $0x100000, s0  }
0x1ff: {  	[sflag:s0] =	ssyncadd.tile.s32 @!p0 $0x1;
	_ =	shalt  }
.Lfunc_end2:
_tile_overlayer_lowered:
.L_overlay_start_2:
0x200: {  	(tag) =	ssettag $0x2  }
0x201: {  	s0 =	rddreg [dreg:$0x0];
	s2 =	stileid.u32  }
0x202: {  	s1 =	rddreg [dreg:$0x1];
	p0 =	sne.s32 s2, $0x0  }
0x203: {  	s3 =	rddreg [dreg:$0x2];
	[bflag:$0x3] =	sbarrier.arrive $0xFFFF;
	s2 =	simm.s32 @!p0 $0x1C09  }
0x204: {  	[timem:s3], [sflag:s2] =	dma.local @!p0 [hbm:s0], s1  }
0x205: {  	s0 =	simm.s32 @!p0 $0x9  }
0x206: {  	_ =	swait.ge @!p0 [sflag:s0], s1  }
0x207: {  	s1 =	ssub.s32 @!p0 $0x0, s1;
	[sflag:s0] =	ssyncset.done @!p0 $0x0  }
0x208: {  	[sflag:s0] =	ssyncadd.s32 @!p0 s1  }
0x209: {  	[bflag:$0x3] =	sbarrier.arrive $0xFFFF  }
0x20a: {  	_ =	shalt  }

</sc_bundles>
